<compile_context>
chip_gen: v7x
topology: tpu7x:2x2x1
jax: 0.10.2.dev20260603
libtpu: 0.0.44.dev20260713+nightly
codegen_flags: <defaults>
</compile_context>

<pallas_src>
import jax
import jax.numpy as jnp
from jax import lax
from jax.experimental import pallas as pl
from jax.experimental.pallas import tpu as pltpu
from jax.experimental.pallas import tpu_sc as plsc

N = 10000
E = 320000
D = 128
H = 128
C = 10
B = 128

NC, NS = 2, 16
NW = NC * NS
N_PAD = 10240
BLK = 2000
NBLK = N // BLK
K = 128
NB = 80
NPH = 2
NB_PH = NB // NPH
NPAIR = NB_PH // 2
E_PW = NB * K
E_PAD = NW * E_PW
E_PW_DEG = E // NW
ROWS_PER_SUB = N_PAD // NS

_mesh = plsc.VectorSubcoreMesh(
    core_axis_name="c", subcore_axis_name="s", num_cores=NC, num_subcores=NS)


def _deg_body(ei_hbm, out_hbm, dstv, hist):
    c = lax.axis_index("c")
    s = lax.axis_index("s")
    wid = s * NC + c
    zeros16 = jnp.zeros((16,), jnp.float32)

    def _zero(i, carry):
        hist[pl.ds(i * 16, 16)] = zeros16
        return carry

    lax.fori_loop(0, N // 16, _zero, 0)
    pltpu.sync_copy(ei_hbm.at[pl.ds(E + wid * E_PW_DEG, E_PW_DEG)], dstv)
    ones16 = jnp.ones((16,), jnp.float32)

    def _acc(i, carry):
        idx = dstv[pl.ds(i * 16, 16)]
        plsc.addupdate_scatter(hist, [idx], ones16)
        return carry

    lax.fori_loop(0, E_PW_DEG // 16, _acc, 0)
    pltpu.sync_copy(hist, out_hbm.at[wid])


_deg_kernel = pl.kernel(
    _deg_body,
    out_type=jax.ShapeDtypeStruct((NW, N), jnp.float32),
    mesh=_mesh,
    scratch_types=[
        pltpu.VMEM((E_PW_DEG,), jnp.int32),
        pltpu.VMEM((N,), jnp.float32),
    ],
    compiler_params=pltpu.CompilerParams(needs_layout_passes=False),
)


def _msg_body(hs_hbm, src_hbm, dst_hbm, zero_hbm, out_hbm,
              srcv, dstv, rows_a, rows_b, acc_sh,
              gsem_a, gsem_a2, gsem_b, gsem_b2, ssem_a, ssem_b):
    c = lax.axis_index("c")
    s = lax.axis_index("s")
    wid = s * NC + c
    pltpu.sync_copy(zero_hbm, acc_sh.at[pl.ds(s * ROWS_PER_SUB, ROWS_PER_SUB)])
    plsc.subcore_barrier()

    KH = K // 2

    def _gather(j, rows, sem_lo, sem_hi):
        pltpu.async_copy(hs_hbm.at[srcv.at[j, pl.ds(0, KH)]],
                         rows.at[pl.ds(0, KH)], sem_lo)
        pltpu.async_copy(hs_hbm.at[srcv.at[j, pl.ds(KH, KH)]],
                         rows.at[pl.ds(KH, KH)], sem_hi)

    def _gwait(rows, sem_lo, sem_hi):
        pltpu.make_async_copy(hs_hbm.at[srcv.at[0, pl.ds(0, KH)]],
                              rows.at[pl.ds(0, KH)], sem_lo).wait()
        pltpu.make_async_copy(hs_hbm.at[srcv.at[0, pl.ds(KH, KH)]],
                              rows.at[pl.ds(KH, KH)], sem_hi).wait()

    for ph in range(NPH):
        pltpu.sync_copy(src_hbm.at[wid, ph], srcv)
        pltpu.sync_copy(dst_hbm.at[wid, ph], dstv)
        _gather(0, rows_a, gsem_a, gsem_a2)

        def _pair(p, carry):
            j = 2 * p
            _gwait(rows_a, gsem_a, gsem_a2)

            @pl.when(p > 0)
            def _b_free():
                pltpu.make_async_copy(
                    rows_b, acc_sh.at[dstv.at[0]], ssem_b).wait()

            _gather(j + 1, rows_b, gsem_b, gsem_b2)
            pltpu.async_copy(rows_a, acc_sh.at[dstv.at[j]], ssem_a, add=True)
            _gwait(rows_b, gsem_b, gsem_b2)

            @pl.when(p < NPAIR - 1)
            def _a_free():
                pltpu.make_async_copy(
                    rows_a, acc_sh.at[dstv.at[0]], ssem_a).wait()
                _gather(j + 2, rows_a, gsem_a, gsem_a2)

            pltpu.async_copy(rows_b, acc_sh.at[dstv.at[j + 1]], ssem_b,
                             add=True)
            return carry

        lax.fori_loop(0, NPAIR, _pair, 0)
        pltpu.make_async_copy(rows_a, acc_sh.at[dstv.at[0]], ssem_a).wait()
        pltpu.make_async_copy(rows_b, acc_sh.at[dstv.at[0]], ssem_b).wait()
    plsc.subcore_barrier()
    pltpu.sync_copy(acc_sh.at[pl.ds(s * ROWS_PER_SUB, ROWS_PER_SUB)],
                    out_hbm.at[c, pl.ds(s * ROWS_PER_SUB, ROWS_PER_SUB)])


_msg_kernel = pl.kernel(
    _msg_body,
    out_type=jax.ShapeDtypeStruct((NC, N_PAD, H), jnp.float32),
    mesh=_mesh,
    scratch_types=[
        pltpu.VMEM((NB_PH, K), jnp.int32),
        pltpu.VMEM((NB_PH, K), jnp.int32),
        pltpu.VMEM((K, H), jnp.float32),
        pltpu.VMEM((K, H), jnp.float32),
        pltpu.VMEM_SHARED((N_PAD, H), jnp.float32),
        pltpu.SemaphoreType.DMA,
        pltpu.SemaphoreType.DMA,
        pltpu.SemaphoreType.DMA,
        pltpu.SemaphoreType.DMA,
        pltpu.SemaphoreType.DMA,
        pltpu.SemaphoreType.DMA,
    ],
)


def _hs_body(x_ref, w_ref, degp_ref, hs_ref, dinv_ref):
    deg = lax.dot_general(degp_ref[0], jnp.ones((NW, 1), jnp.float32),
                          (((0,), (0,)), ((), ())),
                          preferred_element_type=jnp.float32) + 1.0
    dinv = lax.rsqrt(deg)
    h = jnp.dot(x_ref[...], w_ref[...], preferred_element_type=jnp.float32)
    hs_ref[...] = dinv * h
    dinv_ref[...] = dinv


_hs_call = pl.pallas_call(
    _hs_body,
    grid=(NBLK,),
    in_specs=[
        pl.BlockSpec((BLK, D), lambda i: (i, 0)),
        pl.BlockSpec((D, H), lambda i: (0, 0)),
        pl.BlockSpec((1, NW, BLK), lambda i: (i, 0, 0)),
    ],
    out_specs=[
        pl.BlockSpec((BLK, H), lambda i: (i, 0)),
        pl.BlockSpec((BLK, 1), lambda i: (i, 0)),
    ],
    out_shape=[
        jax.ShapeDtypeStruct((N, H), jnp.float32),
        jax.ShapeDtypeStruct((N, 1), jnp.float32),
    ],
)


def _final_body(aggp_ref, hs_ref, dinv_ref, batch_ref, wlin_ref, out_ref,
                acc, cnt):
    i = pl.program_id(0)

    @pl.when(i == 0)
    def _init():
        acc[...] = jnp.zeros_like(acc)
        cnt[...] = jnp.zeros_like(cnt)

    agg = jnp.sum(aggp_ref[...], axis=0)
    r = jnp.maximum(dinv_ref[...] * (agg + hs_ref[...]), 0.0)
    b_ids = batch_ref[...]
    onehot = (b_ids == lax.broadcasted_iota(jnp.int32, (BLK, B), 1)
              ).astype(jnp.float32)
    acc[...] += lax.dot_general(onehot, r, (((0,), (0,)), ((), ())),
                                preferred_element_type=jnp.float32)
    cnt[...] += lax.dot_general(onehot, jnp.ones((BLK, 1), jnp.float32),
                                (((0,), (0,)), ((), ())),
                                preferred_element_type=jnp.float32)

    @pl.when(i == NBLK - 1)
    def _emit():
        pooled = acc[...] / jnp.maximum(cnt[...], 1.0)
        out_ref[...] = jnp.dot(pooled, wlin_ref[...],
                               preferred_element_type=jnp.float32)


_final_call = pl.pallas_call(
    _final_body,
    grid=(NBLK,),
    in_specs=[
        pl.BlockSpec((NC, BLK, H), lambda i: (0, i, 0)),
        pl.BlockSpec((BLK, H), lambda i: (i, 0)),
        pl.BlockSpec((BLK, 1), lambda i: (i, 0)),
        pl.BlockSpec((BLK, 1), lambda i: (i, 0)),
        pl.BlockSpec((H, C), lambda i: (0, 0)),
    ],
    out_specs=pl.BlockSpec((B, C), lambda i: (0, 0)),
    out_shape=jax.ShapeDtypeStruct((B, C), jnp.float32),
    scratch_shapes=[
        pltpu.VMEM((B, H), jnp.float32),
        pltpu.VMEM((B, 1), jnp.float32),
    ],
)


def kernel(x, edge_index, batch, W_conv, W_lin):
    ei = edge_index.astype(jnp.int32)
    pad = E_PAD - E
    cyc = jnp.arange(pad, dtype=jnp.int32)
    src_p = jnp.concatenate([ei[0], cyc % K])
    dst_p = jnp.concatenate([ei[1], N + cyc % (N_PAD - N)])
    src_2d = src_p.reshape(NW, NPH, NB_PH, K)
    dst_2d = dst_p.reshape(NW, NPH, NB_PH, K)

    deg_parts = _deg_kernel(ei.reshape(2 * E))
    degp_t = deg_parts.reshape(NW, NBLK, BLK).transpose(1, 0, 2)

    hs, dinv = _hs_call(x, W_conv, degp_t)

    zeros_stripe = jnp.zeros((ROWS_PER_SUB, H), jnp.float32)
    agg_parts = _msg_kernel(hs, src_2d, dst_2d, zeros_stripe)

    logits = _final_call(agg_parts, hs, dinv,
                         batch.astype(jnp.int32).reshape(N, 1), W_lin)
    return logits

# --- scband reference (transcript-rebuilt; emitter-appended) ---
"""Pipeline reference for scband-gc-net-63788854280228 (READ-ONLY COPY).

The authoritative reference and input builder live on the scoring server;
editing this copy changes nothing except your own understanding.
"""

import jax, jax.numpy as jnp
import numpy as np

N = 10000   # nodes
E = 320000  # edges
D = 128     # n_features
H = 128     # hidden
C = 10      # n_classes
B = 128     # graphs in batch


def setup_inputs(seed: int = 0) -> dict:
    key = jax.random.key(seed)
    k1, k2, k3, k4, k5 = jax.random.split(key, 5)
    x = jax.random.normal(k1, (N, D), dtype=jnp.float32)
    edge_index = jax.random.randint(k2, (2, E), 0, N)
    batch = jnp.sort(jax.random.randint(k3, (N,), 0, B))
    # learned params (bias=False for both conv and lin)
    W_conv = jax.random.normal(k4, (D, H), dtype=jnp.float32) * (1.0 / np.sqrt(D))
    W_lin = jax.random.normal(k5, (H, C), dtype=jnp.float32) * (1.0 / np.sqrt(H))
    return {"x": x, "edge_index": edge_index, "batch": batch, "W_conv": W_conv, "W_lin": W_lin}


def reference(x, edge_index, batch, W_conv, W_lin):
    # GCNConv (PyG semantics): add self loops, symmetric normalization,
    # aggregate messages from source -> target. bias=False.
    src = edge_index[0]
    dst = edge_index[1]
    loop = jnp.arange(N, dtype=src.dtype)
    src = jnp.concatenate([src, loop])
    dst = jnp.concatenate([dst, loop])
    deg = jax.ops.segment_sum(jnp.ones(src.shape[0], dtype=x.dtype), dst, num_segments=N)
    dinv = jnp.where(deg > 0, jax.lax.rsqrt(deg), 0.0)
    norm = dinv[src] * dinv[dst]
    h = x @ W_conv
    msg = norm[:, None] * jnp.take(h, src, axis=0)
    out = jax.ops.segment_sum(msg, dst, num_segments=N)
    # act == 'relu'
    out = jax.nn.relu(out)
    # pool == 'avg': global mean pool over node-to-graph segment ids
    sums = jax.ops.segment_sum(out, batch, num_segments=B)
    counts = jax.ops.segment_sum(jnp.ones((N,), dtype=x.dtype), batch, num_segments=B)
    pooled = sums / jnp.clip(counts, 1.0)[:, None]
    # final linear, bias=False
    logits = pooled @ W_lin
    return logits

if __name__ == "__main__":
    import jax
    _d = setup_inputs()
    print(jax.jit(kernel)(*tuple(_d.values())))

</pallas_src>

<mosaic_0001>
#map = affine_map<(d0, d1) -> (0)>
#map1 = affine_map<(d0, d1) -> (0, 0)>
module attributes {stable_mosaic.version = 14 : i64} {
  func.func @_deg_body(%arg0: i32, %arg1: i32, %arg2: memref<640000xi32, #tpu.memory_space<hbm>>, %arg3: memref<32x10000xf32, #tpu.memory_space<hbm>>, %arg4: memref<10000xi32, #tpu.memory_space<vmem>>, %arg5: memref<10000xf32, #tpu.memory_space<vmem>>) attributes {dimension_semantics = [#tpu.dimension_semantics<core_parallel>, #tpu.dimension_semantics<subcore_parallel>], iteration_bounds = array<i64: 2, 16>, scalar_prefetch = 0 : i64, scratch_operands = 2 : i64, tpu.core_type = #tpu.core_type<sc_vector_subcore>, window_params = [{transform_indices = #map}, {transform_indices = #map1}]} {
    %mul3A = arith.constant 2 : i32
    %mul3A_0 = arith.muli %arg1, %mul3A : i32
    %add3A = arith.addi %mul3A_0, %arg0 : i32
    %broadcast_in_dim3A = arith.constant 0.000000e+00 : f32
    %broadcast_in_dim3A_1 = vector.broadcast %broadcast_in_dim3A : f32 to vector<16xf32>
    %scan3A = arith.constant 0 : i32
    %scan3A_2 = arith.constant 0 : i32
    %scan3A_3 = arith.constant 625 : i32
    %scan3A_4 = arith.addi %scan3A_2, %scan3A_3 : i32
    %scan3A_5 = arith.constant 1 : i32
    scf.for %scan3A_19 = %scan3A_2 to %scan3A_4 step %scan3A_5  : i32 {
      %mul3A_20 = arith.constant 16 : i32
      %mul3A_21 = arith.muli %scan3A_19, %mul3A_20 : i32
      %swap3A = arith.index_cast %mul3A_21 : i32 to index
      %swap3A_22 = tpu.vector_load %arg5[%swap3A] {strides = array<i32>} : memref<10000xf32, #tpu.memory_space<vmem>>, vector<16xf32>,
      tpu.vector_store %arg5[%swap3A], %broadcast_in_dim3A_1 {strides = array<i32>} : memref<10000xf32, #tpu.memory_space<vmem>>, vector<16xf32>,
    }
    %scan3A_6 = arith.constant 625 : i32
    %mul3A_7 = arith.constant 10000 : i32
    %mul3A_8 = arith.muli %add3A, %mul3A_7 : i32
    %add3A_9 = arith.constant 320000 : i32
    %add3A_10 = arith.addi %add3A_9, %mul3A_8 : i32
    "tpu.region"() ({
      %run_scoped3A = tpu.sem_alloc : memref<!tpu.dma_semaphore, #tpu.memory_space<semaphore_mem>>
      %dma_start3A = tpu.memref_slice %arg2[%add3A_10] : memref<640000xi32, #tpu.memory_space<hbm>> -> memref<10000xi32, #tpu.memory_space<hbm>>
      %dma_start3A_19 = tpu.memref_slice %arg2[%add3A_10] : memref<640000xi32, #tpu.memory_space<hbm>> -> memref<10000xi32, #tpu.memory_space<hbm>>
      tpu.enqueue_dma source(%dma_start3A_19 : memref<10000xi32, #tpu.memory_space<hbm>>) target(%arg4 : memref<10000xi32, #tpu.memory_space<vmem>>) target_semaphore(%run_scoped3A : memref<!tpu.dma_semaphore, #tpu.memory_space<semaphore_mem>>)
      %dma_wait3A = tpu.memref_slice %arg2[%add3A_10] : memref<640000xi32, #tpu.memory_space<hbm>> -> memref<10000xi32, #tpu.memory_space<hbm>>
      %dma_wait3A_20 = tpu.memref_slice %arg2[%add3A_10] : memref<640000xi32, #tpu.memory_space<hbm>> -> memref<10000xi32, #tpu.memory_space<hbm>>
      tpu.wait_dma2 semaphore(%run_scoped3A : memref<!tpu.dma_semaphore, #tpu.memory_space<semaphore_mem>>) src(%dma_wait3A_20 : memref<10000xi32, #tpu.memory_space<hbm>>) dst(%arg4 : memref<10000xi32, #tpu.memory_space<vmem>>)
      tpu.yield
    }) : () -> ()
    %broadcast_in_dim3A_11 = arith.constant 1.000000e+00 : f32
    %broadcast_in_dim3A_12 = vector.broadcast %broadcast_in_dim3A_11 : f32 to vector<16xf32>
    %scan3A_13 = arith.constant 0 : i32
    %scan3A_14 = arith.constant 0 : i32
    %scan3A_15 = arith.constant 625 : i32
    %scan3A_16 = arith.addi %scan3A_14, %scan3A_15 : i32
    %scan3A_17 = arith.constant 1 : i32
    scf.for %scan3A_19 = %scan3A_14 to %scan3A_16 step %scan3A_17  : i32 {
      %mul3A_20 = arith.constant 16 : i32
      %mul3A_21 = arith.muli %scan3A_19, %mul3A_20 : i32
      %get3A = arith.index_cast %mul3A_21 : i32 to index
      %get3A_22 = tpu.vector_load %arg4[%get3A] {strides = array<i32>} : memref<10000xi32, #tpu.memory_space<vmem>>, vector<16xi32>,
      tpu.vector_store_idx %arg5[%get3A_22], %broadcast_in_dim3A_12 {add = true} : memref<10000xf32, #tpu.memory_space<vmem>>[vector<16xi32>], vector<16xf32>,
    }
    %scan3A_18 = arith.constant 625 : i32
    "tpu.region"() ({
      %run_scoped3A = tpu.sem_alloc : memref<!tpu.dma_semaphore, #tpu.memory_space<semaphore_mem>>
      %dma_start3A = arith.constant 0 : i32
      %dma_start3A_19 = tpu.memref_slice %arg3[%add3A, %dma_start3A] : memref<32x10000xf32, #tpu.memory_space<hbm>> -> memref<1x10000xf32, #tpu.memory_space<hbm>>
      %dma_start3A_20 = tpu.memref_squeeze %dma_start3A_19 : memref<1x10000xf32, #tpu.memory_space<hbm>> -> memref<10000xf32, #tpu.memory_space<hbm>>
      %dma_start3A_21 = arith.constant 0 : i32
      %dma_start3A_22 = tpu.memref_slice %arg3[%add3A, %dma_start3A_21] : memref<32x10000xf32, #tpu.memory_space<hbm>> -> memref<1x10000xf32, #tpu.memory_space<hbm>>
      %dma_start3A_23 = tpu.memref_squeeze %dma_start3A_22 : memref<1x10000xf32, #tpu.memory_space<hbm>> -> memref<10000xf32, #tpu.memory_space<hbm>>
      tpu.enqueue_dma source(%arg5 : memref<10000xf32, #tpu.memory_space<vmem>>) target(%dma_start3A_23 : memref<10000xf32, #tpu.memory_space<hbm>>) target_semaphore(%run_scoped3A : memref<!tpu.dma_semaphore, #tpu.memory_space<semaphore_mem>>)
      %dma_wait3A = arith.constant 0 : i32
      %dma_wait3A_24 = tpu.memref_slice %arg3[%add3A, %dma_wait3A] : memref<32x10000xf32, #tpu.memory_space<hbm>> -> memref<1x10000xf32, #tpu.memory_space<hbm>>
      %dma_wait3A_25 = tpu.memref_squeeze %dma_wait3A_24 : memref<1x10000xf32, #tpu.memory_space<hbm>> -> memref<10000xf32, #tpu.memory_space<hbm>>
      %dma_wait3A_26 = arith.constant 0 : i32
      %dma_wait3A_27 = tpu.memref_slice %arg3[%add3A, %dma_wait3A_26] : memref<32x10000xf32, #tpu.memory_space<hbm>> -> memref<1x10000xf32, #tpu.memory_space<hbm>>
      %dma_wait3A_28 = tpu.memref_squeeze %dma_wait3A_27 : memref<1x10000xf32, #tpu.memory_space<hbm>> -> memref<10000xf32, #tpu.memory_space<hbm>>
      tpu.wait_dma2 semaphore(%run_scoped3A : memref<!tpu.dma_semaphore, #tpu.memory_space<semaphore_mem>>) src(%arg5 : memref<10000xf32, #tpu.memory_space<vmem>>) dst(%dma_wait3A_28 : memref<10000xf32, #tpu.memory_space<hbm>>)
      tpu.yield
    }) : () -> ()
    return
  }
}

#map = affine_map<(d0, d1) -> (0, 0)>
#map1 = affine_map<(d0, d1) -> (0, 0, 0, 0)>
#map2 = affine_map<(d0, d1) -> (0, 0, 0)>
module attributes {stable_mosaic.version = 14 : i64} {
  func.func @_msg_body(%arg0: i32, %arg1: i32, %arg2: memref<10000x128xf32, #tpu.memory_space<hbm>>, %arg3: memref<32x2x40x128xi32, #tpu.memory_space<hbm>>, %arg4: memref<32x2x40x128xi32, #tpu.memory_space<hbm>>, %arg5: memref<640x128xf32, #tpu.memory_space<hbm>>, %arg6: memref<2x10240x128xf32, #tpu.memory_space<hbm>>, %arg7: memref<40x128xi32, #tpu.memory_space<vmem>>, %arg8: memref<40x128xi32, #tpu.memory_space<vmem>>, %arg9: memref<128x128xf32, #tpu.memory_space<vmem>>, %arg10: memref<128x128xf32, #tpu.memory_space<vmem>>, %arg11: memref<10240x128xf32, #tpu.memory_space<vmem_shared>>, %arg12: memref<!tpu.dma_semaphore, #tpu.memory_space<semaphore_mem>>, %arg13: memref<!tpu.dma_semaphore, #tpu.memory_space<semaphore_mem>>, %arg14: memref<!tpu.dma_semaphore, #tpu.memory_space<semaphore_mem>>, %arg15: memref<!tpu.dma_semaphore, #tpu.memory_space<semaphore_mem>>, %arg16: memref<!tpu.dma_semaphore, #tpu.memory_space<semaphore_mem>>, %arg17: memref<!tpu.dma_semaphore, #tpu.memory_space<semaphore_mem>>) attributes {dimension_semantics = [#tpu.dimension_semantics<core_parallel>, #tpu.dimension_semantics<subcore_parallel>], iteration_bounds = array<i64: 2, 16>, scalar_prefetch = 0 : i64, scratch_operands = 11 : i64, tpu.core_type = #tpu.core_type<sc_vector_subcore>, window_params = [{transform_indices = #map}, {transform_indices = #map1}, {transform_indices = #map1}, {transform_indices = #map}, {transform_indices = #map2}]} {
    %mul3A = arith.constant 2 : i32
    %mul3A_0 = arith.muli %arg1, %mul3A : i32
    %add3A = arith.addi %mul3A_0, %arg0 : i32
    %mul3A_1 = arith.constant 640 : i32
    %mul3A_2 = arith.muli %arg1, %mul3A_1 : i32
    "tpu.region"() ({
      %run_scoped3A_88 = tpu.sem_alloc : memref<!tpu.dma_semaphore, #tpu.memory_space<semaphore_mem>>
      %dma_start3A_89 = arith.constant 0 : i32
      %dma_start3A_90 = tpu.memref_slice %arg11[%mul3A_2, %dma_start3A_89] : memref<10240x128xf32, #tpu.memory_space<vmem_shared>> -> memref<640x128xf32, #tpu.memory_space<vmem_shared>>
      tpu.enqueue_dma source(%arg5 : memref<640x128xf32, #tpu.memory_space<hbm>>) target(%dma_start3A_90 : memref<640x128xf32, #tpu.memory_space<vmem_shared>>) target_semaphore(%run_scoped3A_88 : memref<!tpu.dma_semaphore, #tpu.memory_space<semaphore_mem>>)
      %dma_wait3A_91 = arith.constant 0 : i32
      %dma_wait3A_92 = tpu.memref_slice %arg11[%mul3A_2, %dma_wait3A_91] : memref<10240x128xf32, #tpu.memory_space<vmem_shared>> -> memref<640x128xf32, #tpu.memory_space<vmem_shared>>
      tpu.wait_dma2 semaphore(%run_scoped3A_88 : memref<!tpu.dma_semaphore, #tpu.memory_space<semaphore_mem>>) src(%arg5 : memref<640x128xf32, #tpu.memory_space<hbm>>) dst(%dma_wait3A_92 : memref<640x128xf32, #tpu.memory_space<vmem_shared>>)
      tpu.yield
    }) : () -> ()
    %barrier3A = arith.constant 0 : index
    tpu.barrier barrier_id(%barrier3A)
    %run_scoped3A = arith.constant 0 : i32
    "tpu.region"() ({
      %run_scoped3A_88 = tpu.sem_alloc : memref<!tpu.dma_semaphore, #tpu.memory_space<semaphore_mem>>
      %dma_start3A_89 = arith.constant 0 : i32
      %dma_start3A_90 = arith.constant 0 : i32
      %dma_start3A_91 = tpu.memref_slice %arg3[%add3A, %run_scoped3A, %dma_start3A_89, %dma_start3A_90] : memref<32x2x40x128xi32, #tpu.memory_space<hbm>> -> memref<1x1x40x128xi32, #tpu.memory_space<hbm>>
      %dma_start3A_92 = tpu.memref_squeeze %dma_start3A_91 : memref<1x1x40x128xi32, #tpu.memory_space<hbm>> -> memref<40x128xi32, #tpu.memory_space<hbm>>
      %dma_start3A_93 = arith.constant 0 : i32
      %dma_start3A_94 = arith.constant 0 : i32
      %dma_start3A_95 = tpu.memref_slice %arg3[%add3A, %run_scoped3A, %dma_start3A_93, %dma_start3A_94] : memref<32x2x40x128xi32, #tpu.memory_space<hbm>> -> memref<1x1x40x128xi32, #tpu.memory_space<hbm>>
      %dma_start3A_96 = tpu.memref_squeeze %dma_start3A_95 : memref<1x1x40x128xi32, #tpu.memory_space<hbm>> -> memref<40x128xi32, #tpu.memory_space<hbm>>
      tpu.enqueue_dma source(%dma_start3A_96 : memref<40x128xi32, #tpu.memory_space<hbm>>) target(%arg7 : memref<40x128xi32, #tpu.memory_space<vmem>>) target_semaphore(%run_scoped3A_88 : memref<!tpu.dma_semaphore, #tpu.memory_space<semaphore_mem>>)
      %dma_wait3A_97 = arith.constant 0 : i32
      %dma_wait3A_98 = arith.constant 0 : i32
      %dma_wait3A_99 = tpu.memref_slice %arg3[%add3A, %run_scoped3A, %dma_wait3A_97, %dma_wait3A_98] : memref<32x2x40x128xi32, #tpu.memory_space<hbm>> -> memref<1x1x40x128xi32, #tpu.memory_space<hbm>>
      %dma_wait3A_100 = tpu.memref_squeeze %dma_wait3A_99 : memref<1x1x40x128xi32, #tpu.memory_space<hbm>> -> memref<40x128xi32, #tpu.memory_space<hbm>>
      %dma_wait3A_101 = arith.constant 0 : i32
      %dma_wait3A_102 = arith.constant 0 : i32
      %dma_wait3A_103 = tpu.memref_slice %arg3[%add3A, %run_scoped3A, %dma_wait3A_101, %dma_wait3A_102] : memref<32x2x40x128xi32, #tpu.memory_space<hbm>> -> memref<1x1x40x128xi32, #tpu.memory_space<hbm>>
      %dma_wait3A_104 = tpu.memref_squeeze %dma_wait3A_103 : memref<1x1x40x128xi32, #tpu.memory_space<hbm>> -> memref<40x128xi32, #tpu.memory_space<hbm>>
      tpu.wait_dma2 semaphore(%run_scoped3A_88 : memref<!tpu.dma_semaphore, #tpu.memory_space<semaphore_mem>>) src(%dma_wait3A_104 : memref<40x128xi32, #tpu.memory_space<hbm>>) dst(%arg7 : memref<40x128xi32, #tpu.memory_space<vmem>>)
      tpu.yield
    }) : () -> ()
    %run_scoped3A_3 = arith.constant 0 : i32
    "tpu.region"() ({
      %run_scoped3A_88 = tpu.sem_alloc : memref<!tpu.dma_semaphore, #tpu.memory_space<semaphore_mem>>
      %dma_start3A_89 = arith.constant 0 : i32
      %dma_start3A_90 = arith.constant 0 : i32
      %dma_start3A_91 = tpu.memref_slice %arg4[%add3A, %run_scoped3A_3, %dma_start3A_89, %dma_start3A_90] : memref<32x2x40x128xi32, #tpu.memory_space<hbm>> -> memref<1x1x40x128xi32, #tpu.memory_space<hbm>>
      %dma_start3A_92 = tpu.memref_squeeze %dma_start3A_91 : memref<1x1x40x128xi32, #tpu.memory_space<hbm>> -> memref<40x128xi32, #tpu.memory_space<hbm>>
      %dma_start3A_93 = arith.constant 0 : i32
      %dma_start3A_94 = arith.constant 0 : i32
      %dma_start3A_95 = tpu.memref_slice %arg4[%add3A, %run_scoped3A_3, %dma_start3A_93, %dma_start3A_94] : memref<32x2x40x128xi32, #tpu.memory_space<hbm>> -> memref<1x1x40x128xi32, #tpu.memory_space<hbm>>
      %dma_start3A_96 = tpu.memref_squeeze %dma_start3A_95 : memref<1x1x40x128xi32, #tpu.memory_space<hbm>> -> memref<40x128xi32, #tpu.memory_space<hbm>>
      tpu.enqueue_dma source(%dma_start3A_96 : memref<40x128xi32, #tpu.memory_space<hbm>>) target(%arg8 : memref<40x128xi32, #tpu.memory_space<vmem>>) target_semaphore(%run_scoped3A_88 : memref<!tpu.dma_semaphore, #tpu.memory_space<semaphore_mem>>)
      %dma_wait3A_97 = arith.constant 0 : i32
      %dma_wait3A_98 = arith.constant 0 : i32
      %dma_wait3A_99 = tpu.memref_slice %arg4[%add3A, %run_scoped3A_3, %dma_wait3A_97, %dma_wait3A_98] : memref<32x2x40x128xi32, #tpu.memory_space<hbm>> -> memref<1x1x40x128xi32, #tpu.memory_space<hbm>>
      %dma_wait3A_100 = tpu.memref_squeeze %dma_wait3A_99 : memref<1x1x40x128xi32, #tpu.memory_space<hbm>> -> memref<40x128xi32, #tpu.memory_space<hbm>>
      %dma_wait3A_101 = arith.constant 0 : i32
      %dma_wait3A_102 = arith.constant 0 : i32
      %dma_wait3A_103 = tpu.memref_slice %arg4[%add3A, %run_scoped3A_3, %dma_wait3A_101, %dma_wait3A_102] : memref<32x2x40x128xi32, #tpu.memory_space<hbm>> -> memref<1x1x40x128xi32, #tpu.memory_space<hbm>>
      %dma_wait3A_104 = tpu.memref_squeeze %dma_wait3A_103 : memref<1x1x40x128xi32, #tpu.memory_space<hbm>> -> memref<40x128xi32, #tpu.memory_space<hbm>>
      tpu.wait_dma2 semaphore(%run_scoped3A_88 : memref<!tpu.dma_semaphore, #tpu.memory_space<semaphore_mem>>) src(%dma_wait3A_104 : memref<40x128xi32, #tpu.memory_space<hbm>>) dst(%arg8 : memref<40x128xi32, #tpu.memory_space<vmem>>)
      tpu.yield
    }) : () -> ()
    %dma_start3A = arith.constant 0 : i32
    %dma_start3A_4 = arith.constant 0 : i32
    %dma_start3A_5 = arith.constant 0 : i32
    %dma_start3A_6 = tpu.memref_slice %arg9[%dma_start3A_4, %dma_start3A_5] : memref<128x128xf32, #tpu.memory_space<vmem>> -> memref<64x128xf32, #tpu.memory_space<vmem>>
    %dma_start3A_7 = arith.constant 0 : i32
    %dma_start3A_8 = tpu.memref_slice %arg7[%dma_start3A, %dma_start3A_7] : memref<40x128xi32, #tpu.memory_space<vmem>> -> memref<1x64xi32, #tpu.memory_space<vmem>>
    %dma_start3A_9 = tpu.memref_squeeze %dma_start3A_8 : memref<1x64xi32, #tpu.memory_space<vmem>> -> memref<64xi32, #tpu.memory_space<vmem>>
    %dma_start3A_10 = arith.constant 0 : i32
    %dma_start3A_11 = arith.constant 0 : i32
    %dma_start3A_12 = tpu.memref_slice %arg2[%dma_start3A_10, %dma_start3A_11] : memref<10000x128xf32, #tpu.memory_space<hbm>> -> memref<10000x128xf32, #tpu.memory_space<hbm>>
    tpu.enqueue_indirect_dma source(%dma_start3A_12 : memref<10000x128xf32, #tpu.memory_space<hbm>>) target(%dma_start3A_6 : memref<64x128xf32, #tpu.memory_space<vmem>>) offsets(%dma_start3A_9 : memref<64xi32, #tpu.memory_space<vmem>>) semaphore(%arg12 : memref<!tpu.dma_semaphore, #tpu.memory_space<semaphore_mem>>)
    %dma_start3A_13 = arith.constant 0 : i32
    %dma_start3A_14 = arith.constant 64 : i32
    %dma_start3A_15 = arith.constant 0 : i32
    %dma_start3A_16 = tpu.memref_slice %arg9[%dma_start3A_14, %dma_start3A_15] : memref<128x128xf32, #tpu.memory_space<vmem>> -> memref<64x128xf32, #tpu.memory_space<vmem>>
    %dma_start3A_17 = arith.constant 64 : i32
    %dma_start3A_18 = tpu.memref_slice %arg7[%dma_start3A_13, %dma_start3A_17] : memref<40x128xi32, #tpu.memory_space<vmem>> -> memref<1x64xi32, #tpu.memory_space<vmem>>
    %dma_start3A_19 = tpu.memref_squeeze %dma_start3A_18 : memref<1x64xi32, #tpu.memory_space<vmem>> -> memref<64xi32, #tpu.memory_space<vmem>>
    %dma_start3A_20 = arith.constant 0 : i32
    %dma_start3A_21 = arith.constant 0 : i32
    %dma_start3A_22 = tpu.memref_slice %arg2[%dma_start3A_20, %dma_start3A_21] : memref<10000x128xf32, #tpu.memory_space<hbm>> -> memref<10000x128xf32, #tpu.memory_space<hbm>>
    tpu.enqueue_indirect_dma source(%dma_start3A_22 : memref<10000x128xf32, #tpu.memory_space<hbm>>) target(%dma_start3A_16 : memref<64x128xf32, #tpu.memory_space<vmem>>) offsets(%dma_start3A_19 : memref<64xi32, #tpu.memory_space<vmem>>) semaphore(%arg13 : memref<!tpu.dma_semaphore, #tpu.memory_space<semaphore_mem>>)
    %scan3A = arith.constant 0 : i32
    %scan3A_23 = arith.constant 0 : i32
    %scan3A_24 = arith.constant 20 : i32
    %scan3A_25 = arith.addi %scan3A_23, %scan3A_24 : i32
    %scan3A_26 = arith.constant 1 : i32
    scf.for %scan3A_88 = %scan3A_23 to %scan3A_25 step %scan3A_26  : i32 {
      %mul3A_89 = arith.constant 2 : i32
      %mul3A_90 = arith.muli %mul3A_89, %scan3A_88 : i32
      %dma_wait3A_91 = arith.constant 0 : i32
      %dma_wait3A_92 = arith.constant 0 : i32
      %dma_wait3A_93 = arith.constant 0 : i32
      %dma_wait3A_94 = tpu.memref_slice %arg9[%dma_wait3A_92, %dma_wait3A_93] : memref<128x128xf32, #tpu.memory_space<vmem>> -> memref<64x128xf32, #tpu.memory_space<vmem>>
      %dma_wait3A_95 = arith.constant 0 : i32
      %dma_wait3A_96 = tpu.memref_slice %arg7[%dma_wait3A_91, %dma_wait3A_95] : memref<40x128xi32, #tpu.memory_space<vmem>> -> memref<1x64xi32, #tpu.memory_space<vmem>>
      %dma_wait3A_97 = tpu.memref_squeeze %dma_wait3A_96 : memref<1x64xi32, #tpu.memory_space<vmem>> -> memref<64xi32, #tpu.memory_space<vmem>>
      %dma_wait3A_98 = arith.constant 0 : i32
      %dma_wait3A_99 = arith.constant 0 : i32
      %dma_wait3A_100 = tpu.memref_slice %arg2[%dma_wait3A_98, %dma_wait3A_99] : memref<10000x128xf32, #tpu.memory_space<hbm>> -> memref<10000x128xf32, #tpu.memory_space<hbm>>
      tpu.wait_indirect_dma semaphore(%arg12 : memref<!tpu.dma_semaphore, #tpu.memory_space<semaphore_mem>>) src(%dma_wait3A_100 : memref<10000x128xf32, #tpu.memory_space<hbm>>) dst(%dma_wait3A_94 : memref<64x128xf32, #tpu.memory_space<vmem>>)
      %dma_wait3A_101 = arith.constant 0 : i32
      %dma_wait3A_102 = arith.constant 64 : i32
      %dma_wait3A_103 = arith.constant 0 : i32
      %dma_wait3A_104 = tpu.memref_slice %arg9[%dma_wait3A_102, %dma_wait3A_103] : memref<128x128xf32, #tpu.memory_space<vmem>> -> memref<64x128xf32, #tpu.memory_space<vmem>>
      %dma_wait3A_105 = arith.constant 64 : i32
      %dma_wait3A_106 = tpu.memref_slice %arg7[%dma_wait3A_101, %dma_wait3A_105] : memref<40x128xi32, #tpu.memory_space<vmem>> -> memref<1x64xi32, #tpu.memory_space<vmem>>
      %dma_wait3A_107 = tpu.memref_squeeze %dma_wait3A_106 : memref<1x64xi32, #tpu.memory_space<vmem>> -> memref<64xi32, #tpu.memory_space<vmem>>
      %dma_wait3A_108 = arith.constant 0 : i32
      %dma_wait3A_109 = arith.constant 0 : i32
      %dma_wait3A_110 = tpu.memref_slice %arg2[%dma_wait3A_108, %dma_wait3A_109] : memref<10000x128xf32, #tpu.memory_space<hbm>> -> memref<10000x128xf32, #tpu.memory_space<hbm>>
      tpu.wait_indirect_dma semaphore(%arg13 : memref<!tpu.dma_semaphore, #tpu.memory_space<semaphore_mem>>) src(%dma_wait3A_110 : memref<10000x128xf32, #tpu.memory_space<hbm>>) dst(%dma_wait3A_104 : memref<64x128xf32, #tpu.memory_space<vmem>>)
      %gt3A = arith.constant 0 : i32
      %gt3A_111 = arith.cmpi sgt, %scan3A_88, %gt3A : i32
      %convert_element_type3A = arith.extui %gt3A_111 : i1 to i32
      %cond3A = arith.constant 0 : i32
      %cond3A_112 = arith.cmpi ne, %convert_element_type3A, %cond3A : i32
      scf.if %cond3A_112 {
        %dma_wait3A_171 = arith.constant 0 : i32
        %dma_wait3A_172 = arith.constant 0 : i32
        %dma_wait3A_173 = tpu.memref_slice %arg8[%dma_wait3A_171, %dma_wait3A_172] : memref<40x128xi32, #tpu.memory_space<vmem>> -> memref<1x128xi32, #tpu.memory_space<vmem>>
        %dma_wait3A_174 = tpu.memref_squeeze %dma_wait3A_173 : memref<1x128xi32, #tpu.memory_space<vmem>> -> memref<128xi32, #tpu.memory_space<vmem>>
        %dma_wait3A_175 = arith.constant 0 : i32
        %dma_wait3A_176 = arith.constant 0 : i32
        %dma_wait3A_177 = tpu.memref_slice %arg11[%dma_wait3A_175, %dma_wait3A_176] : memref<10240x128xf32, #tpu.memory_space<vmem_shared>> -> memref<10240x128xf32, #tpu.memory_space<vmem_shared>>
        tpu.wait_indirect_dma semaphore(%arg17 : memref<!tpu.dma_semaphore, #tpu.memory_space<semaphore_mem>>) src(%arg10 : memref<128x128xf32, #tpu.memory_space<vmem>>) dst(%dma_wait3A_177 : memref<10240x128xf32, #tpu.memory_space<vmem_shared>>)
      } else {
      }
      %add3A_113 = arith.constant 1 : i32
      %add3A_114 = arith.addi %mul3A_90, %add3A_113 : i32
      %dma_start3A_115 = arith.constant 0 : i32
      %dma_start3A_116 = arith.constant 0 : i32
      %dma_start3A_117 = tpu.memref_slice %arg10[%dma_start3A_115, %dma_start3A_116] : memref<128x128xf32, #tpu.memory_space<vmem>> -> memref<64x128xf32, #tpu.memory_space<vmem>>
      %dma_start3A_118 = arith.constant 0 : i32
      %dma_start3A_119 = tpu.memref_slice %arg7[%add3A_114, %dma_start3A_118] : memref<40x128xi32, #tpu.memory_space<vmem>> -> memref<1x64xi32, #tpu.memory_space<vmem>>
      %dma_start3A_120 = tpu.memref_squeeze %dma_start3A_119 : memref<1x64xi32, #tpu.memory_space<vmem>> -> memref<64xi32, #tpu.memory_space<vmem>>
      %dma_start3A_121 = arith.constant 0 : i32
      %dma_start3A_122 = arith.constant 0 : i32
      %dma_start3A_123 = tpu.memref_slice %arg2[%dma_start3A_121, %dma_start3A_122] : memref<10000x128xf32, #tpu.memory_space<hbm>> -> memref<10000x128xf32, #tpu.memory_space<hbm>>
      tpu.enqueue_indirect_dma source(%dma_start3A_123 : memref<10000x128xf32, #tpu.memory_space<hbm>>) target(%dma_start3A_117 : memref<64x128xf32, #tpu.memory_space<vmem>>) offsets(%dma_start3A_120 : memref<64xi32, #tpu.memory_space<vmem>>) semaphore(%arg14 : memref<!tpu.dma_semaphore, #tpu.memory_space<semaphore_mem>>)
      %dma_start3A_124 = arith.constant 64 : i32
      %dma_start3A_125 = arith.constant 0 : i32
      %dma_start3A_126 = tpu.memref_slice %arg10[%dma_start3A_124, %dma_start3A_125] : memref<128x128xf32, #tpu.memory_space<vmem>> -> memref<64x128xf32, #tpu.memory_space<vmem>>
      %dma_start3A_127 = arith.constant 64 : i32
      %dma_start3A_128 = tpu.memref_slice %arg7[%add3A_114, %dma_start3A_127] : memref<40x128xi32, #tpu.memory_space<vmem>> -> memref<1x64xi32, #tpu.memory_space<vmem>>
      %dma_start3A_129 = tpu.memref_squeeze %dma_start3A_128 : memref<1x64xi32, #tpu.memory_space<vmem>> -> memref<64xi32, #tpu.memory_space<vmem>>
      %dma_start3A_130 = arith.constant 0 : i32
      %dma_start3A_131 = arith.constant 0 : i32
      %dma_start3A_132 = tpu.memref_slice %arg2[%dma_start3A_130, %dma_start3A_131] : memref<10000x128xf32, #tpu.memory_space<hbm>> -> memref<10000x128xf32, #tpu.memory_space<hbm>>
      tpu.enqueue_indirect_dma source(%dma_start3A_132 : memref<10000x128xf32, #tpu.memory_space<hbm>>) target(%dma_start3A_126 : memref<64x128xf32, #tpu.memory_space<vmem>>) offsets(%dma_start3A_129 : memref<64xi32, #tpu.memory_space<vmem>>) semaphore(%arg15 : memref<!tpu.dma_semaphore, #tpu.memory_space<semaphore_mem>>)
      %dma_start3A_133 = arith.constant 0 : i32
      %dma_start3A_134 = tpu.memref_slice %arg8[%mul3A_90, %dma_start3A_133] : memref<40x128xi32, #tpu.memory_space<vmem>> -> memref<1x128xi32, #tpu.memory_space<vmem>>
      %dma_start3A_135 = tpu.memref_squeeze %dma_start3A_134 : memref<1x128xi32, #tpu.memory_space<vmem>> -> memref<128xi32, #tpu.memory_space<vmem>>
      %dma_start3A_136 = arith.constant 0 : i32
      %dma_start3A_137 = arith.constant 0 : i32
      %dma_start3A_138 = tpu.memref_slice %arg11[%dma_start3A_136, %dma_start3A_137] : memref<10240x128xf32, #tpu.memory_space<vmem_shared>> -> memref<10240x128xf32, #tpu.memory_space<vmem_shared>>
      tpu.enqueue_indirect_dma source(%arg9 : memref<128x128xf32, #tpu.memory_space<vmem>>) target(%dma_start3A_138 : memref<10240x128xf32, #tpu.memory_space<vmem_shared>>) offsets(%dma_start3A_135 : memref<128xi32, #tpu.memory_space<vmem>>) semaphore(%arg16 : memref<!tpu.dma_semaphore, #tpu.memory_space<semaphore_mem>>) {add = true}
      %dma_wait3A_139 = arith.constant 0 : i32
      %dma_wait3A_140 = arith.constant 0 : i32
      %dma_wait3A_141 = arith.constant 0 : i32
      %dma_wait3A_142 = tpu.memref_slice %arg10[%dma_wait3A_140, %dma_wait3A_141] : memref<128x128xf32, #tpu.memory_space<vmem>> -> memref<64x128xf32, #tpu.memory_space<vmem>>
      %dma_wait3A_143 = arith.constant 0 : i32
      %dma_wait3A_144 = tpu.memref_slice %arg7[%dma_wait3A_139, %dma_wait3A_143] : memref<40x128xi32, #tpu.memory_space<vmem>> -> memref<1x64xi32, #tpu.memory_space<vmem>>
      %dma_wait3A_145 = tpu.memref_squeeze %dma_wait3A_144 : memref<1x64xi32, #tpu.memory_space<vmem>> -> memref<64xi32, #tpu.memory_space<vmem>>
      %dma_wait3A_146 = arith.constant 0 : i32
      %dma_wait3A_147 = arith.constant 0 : i32
      %dma_wait3A_148 = tpu.memref_slice %arg2[%dma_wait3A_146, %dma_wait3A_147] : memref<10000x128xf32, #tpu.memory_space<hbm>> -> memref<10000x128xf32, #tpu.memory_space<hbm>>
      tpu.wait_indirect_dma semaphore(%arg14 : memref<!tpu.dma_semaphore, #tpu.memory_space<semaphore_mem>>) src(%dma_wait3A_148 : memref<10000x128xf32, #tpu.memory_space<hbm>>) dst(%dma_wait3A_142 : memref<64x128xf32, #tpu.memory_space<vmem>>)
      %dma_wait3A_149 = arith.constant 0 : i32
      %dma_wait3A_150 = arith.constant 64 : i32
      %dma_wait3A_151 = arith.constant 0 : i32
      %dma_wait3A_152 = tpu.memref_slice %arg10[%dma_wait3A_150, %dma_wait3A_151] : memref<128x128xf32, #tpu.memory_space<vmem>> -> memref<64x128xf32, #tpu.memory_space<vmem>>
      %dma_wait3A_153 = arith.constant 64 : i32
      %dma_wait3A_154 = tpu.memref_slice %arg7[%dma_wait3A_149, %dma_wait3A_153] : memref<40x128xi32, #tpu.memory_space<vmem>> -> memref<1x64xi32, #tpu.memory_space<vmem>>
      %dma_wait3A_155 = tpu.memref_squeeze %dma_wait3A_154 : memref<1x64xi32, #tpu.memory_space<vmem>> -> memref<64xi32, #tpu.memory_space<vmem>>
      %dma_wait3A_156 = arith.constant 0 : i32
      %dma_wait3A_157 = arith.constant 0 : i32
      %dma_wait3A_158 = tpu.memref_slice %arg2[%dma_wait3A_156, %dma_wait3A_157] : memref<10000x128xf32, #tpu.memory_space<hbm>> -> memref<10000x128xf32, #tpu.memory_space<hbm>>
      tpu.wait_indirect_dma semaphore(%arg15 : memref<!tpu.dma_semaphore, #tpu.memory_space<semaphore_mem>>) src(%dma_wait3A_158 : memref<10000x128xf32, #tpu.memory_space<hbm>>) dst(%dma_wait3A_152 : memref<64x128xf32, #tpu.memory_space<vmem>>)
      %lt3A = arith.constant 19 : i32
      %lt3A_159 = arith.cmpi slt, %scan3A_88, %lt3A : i32
      %convert_element_type3A_160 = arith.extui %lt3A_159 : i1 to i32
      %cond3A_161 = arith.constant 0 : i32
      %cond3A_162 = arith.cmpi ne, %convert_element_type3A_160, %cond3A_161 : i32
      scf.if %cond3A_162 {
        %dma_wait3A_171 = arith.constant 0 : i32
        %dma_wait3A_172 = arith.constant 0 : i32
        %dma_wait3A_173 = tpu.memref_slice %arg8[%dma_wait3A_171, %dma_wait3A_172] : memref<40x128xi32, #tpu.memory_space<vmem>> -> memref<1x128xi32, #tpu.memory_space<vmem>>
        %dma_wait3A_174 = tpu.memref_squeeze %dma_wait3A_173 : memref<1x128xi32, #tpu.memory_space<vmem>> -> memref<128xi32, #tpu.memory_space<vmem>>
        %dma_wait3A_175 = arith.constant 0 : i32
        %dma_wait3A_176 = arith.constant 0 : i32
        %dma_wait3A_177 = tpu.memref_slice %arg11[%dma_wait3A_175, %dma_wait3A_176] : memref<10240x128xf32, #tpu.memory_space<vmem_shared>> -> memref<10240x128xf32, #tpu.memory_space<vmem_shared>>
        tpu.wait_indirect_dma semaphore(%arg16 : memref<!tpu.dma_semaphore, #tpu.memory_space<semaphore_mem>>) src(%arg9 : memref<128x128xf32, #tpu.memory_space<vmem>>) dst(%dma_wait3A_177 : memref<10240x128xf32, #tpu.memory_space<vmem_shared>>)
        %add3A_178 = arith.constant 2 : i32
        %add3A_179 = arith.addi %mul3A_90, %add3A_178 : i32
        %dma_start3A_180 = arith.constant 0 : i32
        %dma_start3A_181 = arith.constant 0 : i32
        %dma_start3A_182 = tpu.memref_slice %arg9[%dma_start3A_180, %dma_start3A_181] : memref<128x128xf32, #tpu.memory_space<vmem>> -> memref<64x128xf32, #tpu.memory_space<vmem>>
        %dma_start3A_183 = arith.constant 0 : i32
        %dma_start3A_184 = tpu.memref_slice %arg7[%add3A_179, %dma_start3A_183] : memref<40x128xi32, #tpu.memory_space<vmem>> -> memref<1x64xi32, #tpu.memory_space<vmem>>
        %dma_start3A_185 = tpu.memref_squeeze %dma_start3A_184 : memref<1x64xi32, #tpu.memory_space<vmem>> -> memref<64xi32, #tpu.memory_space<vmem>>
        %dma_start3A_186 = arith.constant 0 : i32
        %dma_start3A_187 = arith.constant 0 : i32
        %dma_start3A_188 = tpu.memref_slice %arg2[%dma_start3A_186, %dma_start3A_187] : memref<10000x128xf32, #tpu.memory_space<hbm>> -> memref<10000x128xf32, #tpu.memory_space<hbm>>
        tpu.enqueue_indirect_dma source(%dma_start3A_188 : memref<10000x128xf32, #tpu.memory_space<hbm>>) target(%dma_start3A_182 : memref<64x128xf32, #tpu.memory_space<vmem>>) offsets(%dma_start3A_185 : memref<64xi32, #tpu.memory_space<vmem>>) semaphore(%arg12 : memref<!tpu.dma_semaphore, #tpu.memory_space<semaphore_mem>>)
        %dma_start3A_189 = arith.constant 64 : i32
        %dma_start3A_190 = arith.constant 0 : i32
        %dma_start3A_191 = tpu.memref_slice %arg9[%dma_start3A_189, %dma_start3A_190] : memref<128x128xf32, #tpu.memory_space<vmem>> -> memref<64x128xf32, #tpu.memory_space<vmem>>
        %dma_start3A_192 = arith.constant 64 : i32
        %dma_start3A_193 = tpu.memref_slice %arg7[%add3A_179, %dma_start3A_192] : memref<40x128xi32, #tpu.memory_space<vmem>> -> memref<1x64xi32, #tpu.memory_space<vmem>>
        %dma_start3A_194 = tpu.memref_squeeze %dma_start3A_193 : memref<1x64xi32, #tpu.memory_space<vmem>> -> memref<64xi32, #tpu.memory_space<vmem>>
        %dma_start3A_195 = arith.constant 0 : i32
        %dma_start3A_196 = arith.constant 0 : i32
        %dma_start3A_197 = tpu.memref_slice %arg2[%dma_start3A_195, %dma_start3A_196] : memref<10000x128xf32, #tpu.memory_space<hbm>> -> memref<10000x128xf32, #tpu.memory_space<hbm>>
        tpu.enqueue_indirect_dma source(%dma_start3A_197 : memref<10000x128xf32, #tpu.memory_space<hbm>>) target(%dma_start3A_191 : memref<64x128xf32, #tpu.memory_space<vmem>>) offsets(%dma_start3A_194 : memref<64xi32, #tpu.memory_space<vmem>>) semaphore(%arg13 : memref<!tpu.dma_semaphore, #tpu.memory_space<semaphore_mem>>)
      } else {
      }
      %add3A_163 = arith.constant 1 : i32
      %add3A_164 = arith.addi %mul3A_90, %add3A_163 : i32
      %dma_start3A_165 = arith.constant 0 : i32
      %dma_start3A_166 = tpu.memref_slice %arg8[%add3A_164, %dma_start3A_165] : memref<40x128xi32, #tpu.memory_space<vmem>> -> memref<1x128xi32, #tpu.memory_space<vmem>>
      %dma_start3A_167 = tpu.memref_squeeze %dma_start3A_166 : memref<1x128xi32, #tpu.memory_space<vmem>> -> memref<128xi32, #tpu.memory_space<vmem>>
      %dma_start3A_168 = arith.constant 0 : i32
      %dma_start3A_169 = arith.constant 0 : i32
      %dma_start3A_170 = tpu.memref_slice %arg11[%dma_start3A_168, %dma_start3A_169] : memref<10240x128xf32, #tpu.memory_space<vmem_shared>> -> memref<10240x128xf32, #tpu.memory_space<vmem_shared>>
      tpu.enqueue_indirect_dma source(%arg10 : memref<128x128xf32, #tpu.memory_space<vmem>>) target(%dma_start3A_170 : memref<10240x128xf32, #tpu.memory_space<vmem_shared>>) offsets(%dma_start3A_167 : memref<128xi32, #tpu.memory_space<vmem>>) semaphore(%arg17 : memref<!tpu.dma_semaphore, #tpu.memory_space<semaphore_mem>>) {add = true}
    }
    %scan3A_27 = arith.constant 20 : i32
    %dma_wait3A = arith.constant 0 : i32
    %dma_wait3A_28 = arith.constant 0 : i32
    %dma_wait3A_29 = tpu.memref_slice %arg8[%dma_wait3A, %dma_wait3A_28] : memref<40x128xi32, #tpu.memory_space<vmem>> -> memref<1x128xi32, #tpu.memory_space<vmem>>
    %dma_wait3A_30 = tpu.memref_squeeze %dma_wait3A_29 : memref<1x128xi32, #tpu.memory_space<vmem>> -> memref<128xi32, #tpu.memory_space<vmem>>
    %dma_wait3A_31 = arith.constant 0 : i32
    %dma_wait3A_32 = arith.constant 0 : i32
    %dma_wait3A_33 = tpu.memref_slice %arg11[%dma_wait3A_31, %dma_wait3A_32] : memref<10240x128xf32, #tpu.memory_space<vmem_shared>> -> memref<10240x128xf32, #tpu.memory_space<vmem_shared>>
    tpu.wait_indirect_dma semaphore(%arg16 : memref<!tpu.dma_semaphore, #tpu.memory_space<semaphore_mem>>) src(%arg9 : memref<128x128xf32, #tpu.memory_space<vmem>>) dst(%dma_wait3A_33 : memref<10240x128xf32, #tpu.memory_space<vmem_shared>>)
    %dma_wait3A_34 = arith.constant 0 : i32
    %dma_wait3A_35 = arith.constant 0 : i32
    %dma_wait3A_36 = tpu.memref_slice %arg8[%dma_wait3A_34, %dma_wait3A_35] : memref<40x128xi32, #tpu.memory_space<vmem>> -> memref<1x128xi32, #tpu.memory_space<vmem>>
    %dma_wait3A_37 = tpu.memref_squeeze %dma_wait3A_36 : memref<1x128xi32, #tpu.memory_space<vmem>> -> memref<128xi32, #tpu.memory_space<vmem>>
    %dma_wait3A_38 = arith.constant 0 : i32
    %dma_wait3A_39 = arith.constant 0 : i32
    %dma_wait3A_40 = tpu.memref_slice %arg11[%dma_wait3A_38, %dma_wait3A_39] : memref<10240x128xf32, #tpu.memory_space<vmem_shared>> -> memref<10240x128xf32, #tpu.memory_space<vmem_shared>>
    tpu.wait_indirect_dma semaphore(%arg17 : memref<!tpu.dma_semaphore, #tpu.memory_space<semaphore_mem>>) src(%arg10 : memref<128x128xf32, #tpu.memory_space<vmem>>) dst(%dma_wait3A_40 : memref<10240x128xf32, #tpu.memory_space<vmem_shared>>)
    %run_scoped3A_41 = arith.constant 1 : i32
    "tpu.region"() ({
      %run_scoped3A_88 = tpu.sem_alloc : memref<!tpu.dma_semaphore, #tpu.memory_space<semaphore_mem>>
      %dma_start3A_89 = arith.constant 0 : i32
      %dma_start3A_90 = arith.constant 0 : i32
      %dma_start3A_91 = tpu.memref_slice %arg3[%add3A, %run_scoped3A_41, %dma_start3A_89, %dma_start3A_90] : memref<32x2x40x128xi32, #tpu.memory_space<hbm>> -> memref<1x1x40x128xi32, #tpu.memory_space<hbm>>
      %dma_start3A_92 = tpu.memref_squeeze %dma_start3A_91 : memref<1x1x40x128xi32, #tpu.memory_space<hbm>> -> memref<40x128xi32, #tpu.memory_space<hbm>>
      %dma_start3A_93 = arith.constant 0 : i32
      %dma_start3A_94 = arith.constant 0 : i32
      %dma_start3A_95 = tpu.memref_slice %arg3[%add3A, %run_scoped3A_41, %dma_start3A_93, %dma_start3A_94] : memref<32x2x40x128xi32, #tpu.memory_space<hbm>> -> memref<1x1x40x128xi32, #tpu.memory_space<hbm>>
      %dma_start3A_96 = tpu.memref_squeeze %dma_start3A_95 : memref<1x1x40x128xi32, #tpu.memory_space<hbm>> -> memref<40x128xi32, #tpu.memory_space<hbm>>
      tpu.enqueue_dma source(%dma_start3A_96 : memref<40x128xi32, #tpu.memory_space<hbm>>) target(%arg7 : memref<40x128xi32, #tpu.memory_space<vmem>>) target_semaphore(%run_scoped3A_88 : memref<!tpu.dma_semaphore, #tpu.memory_space<semaphore_mem>>)
      %dma_wait3A_97 = arith.constant 0 : i32
      %dma_wait3A_98 = arith.constant 0 : i32
      %dma_wait3A_99 = tpu.memref_slice %arg3[%add3A, %run_scoped3A_41, %dma_wait3A_97, %dma_wait3A_98] : memref<32x2x40x128xi32, #tpu.memory_space<hbm>> -> memref<1x1x40x128xi32, #tpu.memory_space<hbm>>
      %dma_wait3A_100 = tpu.memref_squeeze %dma_wait3A_99 : memref<1x1x40x128xi32, #tpu.memory_space<hbm>> -> memref<40x128xi32, #tpu.memory_space<hbm>>
      %dma_wait3A_101 = arith.constant 0 : i32
      %dma_wait3A_102 = arith.constant 0 : i32
      %dma_wait3A_103 = tpu.memref_slice %arg3[%add3A, %run_scoped3A_41, %dma_wait3A_101, %dma_wait3A_102] : memref<32x2x40x128xi32, #tpu.memory_space<hbm>> -> memref<1x1x40x128xi32, #tpu.memory_space<hbm>>
      %dma_wait3A_104 = tpu.memref_squeeze %dma_wait3A_103 : memref<1x1x40x128xi32, #tpu.memory_space<hbm>> -> memref<40x128xi32, #tpu.memory_space<hbm>>
      tpu.wait_dma2 semaphore(%run_scoped3A_88 : memref<!tpu.dma_semaphore, #tpu.memory_space<semaphore_mem>>) src(%dma_wait3A_104 : memref<40x128xi32, #tpu.memory_space<hbm>>) dst(%arg7 : memref<40x128xi32, #tpu.memory_space<vmem>>)
      tpu.yield
    }) : () -> ()
    %run_scoped3A_42 = arith.constant 1 : i32
    "tpu.region"() ({
      %run_scoped3A_88 = tpu.sem_alloc : memref<!tpu.dma_semaphore, #tpu.memory_space<semaphore_mem>>
      %dma_start3A_89 = arith.constant 0 : i32
      %dma_start3A_90 = arith.constant 0 : i32
      %dma_start3A_91 = tpu.memref_slice %arg4[%add3A, %run_scoped3A_42, %dma_start3A_89, %dma_start3A_90] : memref<32x2x40x128xi32, #tpu.memory_space<hbm>> -> memref<1x1x40x128xi32, #tpu.memory_space<hbm>>
      %dma_start3A_92 = tpu.memref_squeeze %dma_start3A_91 : memref<1x1x40x128xi32, #tpu.memory_space<hbm>> -> memref<40x128xi32, #tpu.memory_space<hbm>>
      %dma_start3A_93 = arith.constant 0 : i32
      %dma_start3A_94 = arith.constant 0 : i32
      %dma_start3A_95 = tpu.memref_slice %arg4[%add3A, %run_scoped3A_42, %dma_start3A_93, %dma_start3A_94] : memref<32x2x40x128xi32, #tpu.memory_space<hbm>> -> memref<1x1x40x128xi32, #tpu.memory_space<hbm>>
      %dma_start3A_96 = tpu.memref_squeeze %dma_start3A_95 : memref<1x1x40x128xi32, #tpu.memory_space<hbm>> -> memref<40x128xi32, #tpu.memory_space<hbm>>
      tpu.enqueue_dma source(%dma_start3A_96 : memref<40x128xi32, #tpu.memory_space<hbm>>) target(%arg8 : memref<40x128xi32, #tpu.memory_space<vmem>>) target_semaphore(%run_scoped3A_88 : memref<!tpu.dma_semaphore, #tpu.memory_space<semaphore_mem>>)
      %dma_wait3A_97 = arith.constant 0 : i32
      %dma_wait3A_98 = arith.constant 0 : i32
      %dma_wait3A_99 = tpu.memref_slice %arg4[%add3A, %run_scoped3A_42, %dma_wait3A_97, %dma_wait3A_98] : memref<32x2x40x128xi32, #tpu.memory_space<hbm>> -> memref<1x1x40x128xi32, #tpu.memory_space<hbm>>
      %dma_wait3A_100 = tpu.memref_squeeze %dma_wait3A_99 : memref<1x1x40x128xi32, #tpu.memory_space<hbm>> -> memref<40x128xi32, #tpu.memory_space<hbm>>
      %dma_wait3A_101 = arith.constant 0 : i32
      %dma_wait3A_102 = arith.constant 0 : i32
      %dma_wait3A_103 = tpu.memref_slice %arg4[%add3A, %run_scoped3A_42, %dma_wait3A_101, %dma_wait3A_102] : memref<32x2x40x128xi32, #tpu.memory_space<hbm>> -> memref<1x1x40x128xi32, #tpu.memory_space<hbm>>
      %dma_wait3A_104 = tpu.memref_squeeze %dma_wait3A_103 : memref<1x1x40x128xi32, #tpu.memory_space<hbm>> -> memref<40x128xi32, #tpu.memory_space<hbm>>
      tpu.wait_dma2 semaphore(%run_scoped3A_88 : memref<!tpu.dma_semaphore, #tpu.memory_space<semaphore_mem>>) src(%dma_wait3A_104 : memref<40x128xi32, #tpu.memory_space<hbm>>) dst(%arg8 : memref<40x128xi32, #tpu.memory_space<vmem>>)
      tpu.yield
    }) : () -> ()
    %dma_start3A_43 = arith.constant 0 : i32
    %dma_start3A_44 = arith.constant 0 : i32
    %dma_start3A_45 = arith.constant 0 : i32
    %dma_start3A_46 = tpu.memref_slice %arg9[%dma_start3A_44, %dma_start3A_45] : memref<128x128xf32, #tpu.memory_space<vmem>> -> memref<64x128xf32, #tpu.memory_space<vmem>>
    %dma_start3A_47 = arith.constant 0 : i32
    %dma_start3A_48 = tpu.memref_slice %arg7[%dma_start3A_43, %dma_start3A_47] : memref<40x128xi32, #tpu.memory_space<vmem>> -> memref<1x64xi32, #tpu.memory_space<vmem>>
    %dma_start3A_49 = tpu.memref_squeeze %dma_start3A_48 : memref<1x64xi32, #tpu.memory_space<vmem>> -> memref<64xi32, #tpu.memory_space<vmem>>
    %dma_start3A_50 = arith.constant 0 : i32
    %dma_start3A_51 = arith.constant 0 : i32
    %dma_start3A_52 = tpu.memref_slice %arg2[%dma_start3A_50, %dma_start3A_51] : memref<10000x128xf32, #tpu.memory_space<hbm>> -> memref<10000x128xf32, #tpu.memory_space<hbm>>
    tpu.enqueue_indirect_dma source(%dma_start3A_52 : memref<10000x128xf32, #tpu.memory_space<hbm>>) target(%dma_start3A_46 : memref<64x128xf32, #tpu.memory_space<vmem>>) offsets(%dma_start3A_49 : memref<64xi32, #tpu.memory_space<vmem>>) semaphore(%arg12 : memref<!tpu.dma_semaphore, #tpu.memory_space<semaphore_mem>>)
    %dma_start3A_53 = arith.constant 0 : i32
    %dma_start3A_54 = arith.constant 64 : i32
    %dma_start3A_55 = arith.constant 0 : i32
    %dma_start3A_56 = tpu.memref_slice %arg9[%dma_start3A_54, %dma_start3A_55] : memref<128x128xf32, #tpu.memory_space<vmem>> -> memref<64x128xf32, #tpu.memory_space<vmem>>
    %dma_start3A_57 = arith.constant 64 : i32
    %dma_start3A_58 = tpu.memref_slice %arg7[%dma_start3A_53, %dma_start3A_57] : memref<40x128xi32, #tpu.memory_space<vmem>> -> memref<1x64xi32, #tpu.memory_space<vmem>>
    %dma_start3A_59 = tpu.memref_squeeze %dma_start3A_58 : memref<1x64xi32, #tpu.memory_space<vmem>> -> memref<64xi32, #tpu.memory_space<vmem>>
    %dma_start3A_60 = arith.constant 0 : i32
    %dma_start3A_61 = arith.constant 0 : i32
    %dma_start3A_62 = tpu.memref_slice %arg2[%dma_start3A_60, %dma_start3A_61] : memref<10000x128xf32, #tpu.memory_space<hbm>> -> memref<10000x128xf32, #tpu.memory_space<hbm>>
    tpu.enqueue_indirect_dma source(%dma_start3A_62 : memref<10000x128xf32, #tpu.memory_space<hbm>>) target(%dma_start3A_56 : memref<64x128xf32, #tpu.memory_space<vmem>>) offsets(%dma_start3A_59 : memref<64xi32, #tpu.memory_space<vmem>>) semaphore(%arg13 : memref<!tpu.dma_semaphore, #tpu.memory_space<semaphore_mem>>)
    %scan3A_63 = arith.constant 0 : i32
    %scan3A_64 = arith.constant 0 : i32
    %scan3A_65 = arith.constant 20 : i32
    %scan3A_66 = arith.addi %scan3A_64, %scan3A_65 : i32
    %scan3A_67 = arith.constant 1 : i32
    scf.for %scan3A_88 = %scan3A_64 to %scan3A_66 step %scan3A_67  : i32 {
      %mul3A_89 = arith.constant 2 : i32
      %mul3A_90 = arith.muli %mul3A_89, %scan3A_88 : i32
      %dma_wait3A_91 = arith.constant 0 : i32
      %dma_wait3A_92 = arith.constant 0 : i32
      %dma_wait3A_93 = arith.constant 0 : i32
      %dma_wait3A_94 = tpu.memref_slice %arg9[%dma_wait3A_92, %dma_wait3A_93] : memref<128x128xf32, #tpu.memory_space<vmem>> -> memref<64x128xf32, #tpu.memory_space<vmem>>
      %dma_wait3A_95 = arith.constant 0 : i32
      %dma_wait3A_96 = tpu.memref_slice %arg7[%dma_wait3A_91, %dma_wait3A_95] : memref<40x128xi32, #tpu.memory_space<vmem>> -> memref<1x64xi32, #tpu.memory_space<vmem>>
      %dma_wait3A_97 = tpu.memref_squeeze %dma_wait3A_96 : memref<1x64xi32, #tpu.memory_space<vmem>> -> memref<64xi32, #tpu.memory_space<vmem>>
      %dma_wait3A_98 = arith.constant 0 : i32
      %dma_wait3A_99 = arith.constant 0 : i32
      %dma_wait3A_100 = tpu.memref_slice %arg2[%dma_wait3A_98, %dma_wait3A_99] : memref<10000x128xf32, #tpu.memory_space<hbm>> -> memref<10000x128xf32, #tpu.memory_space<hbm>>
      tpu.wait_indirect_dma semaphore(%arg12 : memref<!tpu.dma_semaphore, #tpu.memory_space<semaphore_mem>>) src(%dma_wait3A_100 : memref<10000x128xf32, #tpu.memory_space<hbm>>) dst(%dma_wait3A_94 : memref<64x128xf32, #tpu.memory_space<vmem>>)
      %dma_wait3A_101 = arith.constant 0 : i32
      %dma_wait3A_102 = arith.constant 64 : i32
      %dma_wait3A_103 = arith.constant 0 : i32
      %dma_wait3A_104 = tpu.memref_slice %arg9[%dma_wait3A_102, %dma_wait3A_103] : memref<128x128xf32, #tpu.memory_space<vmem>> -> memref<64x128xf32, #tpu.memory_space<vmem>>
      %dma_wait3A_105 = arith.constant 64 : i32
      %dma_wait3A_106 = tpu.memref_slice %arg7[%dma_wait3A_101, %dma_wait3A_105] : memref<40x128xi32, #tpu.memory_space<vmem>> -> memref<1x64xi32, #tpu.memory_space<vmem>>
      %dma_wait3A_107 = tpu.memref_squeeze %dma_wait3A_106 : memref<1x64xi32, #tpu.memory_space<vmem>> -> memref<64xi32, #tpu.memory_space<vmem>>
      %dma_wait3A_108 = arith.constant 0 : i32
      %dma_wait3A_109 = arith.constant 0 : i32
      %dma_wait3A_110 = tpu.memref_slice %arg2[%dma_wait3A_108, %dma_wait3A_109] : memref<10000x128xf32, #tpu.memory_space<hbm>> -> memref<10000x128xf32, #tpu.memory_space<hbm>>
      tpu.wait_indirect_dma semaphore(%arg13 : memref<!tpu.dma_semaphore, #tpu.memory_space<semaphore_mem>>) src(%dma_wait3A_110 : memref<10000x128xf32, #tpu.memory_space<hbm>>) dst(%dma_wait3A_104 : memref<64x128xf32, #tpu.memory_space<vmem>>)
      %gt3A = arith.constant 0 : i32
      %gt3A_111 = arith.cmpi sgt, %scan3A_88, %gt3A : i32
      %convert_element_type3A = arith.extui %gt3A_111 : i1 to i32
      %cond3A = arith.constant 0 : i32
      %cond3A_112 = arith.cmpi ne, %convert_element_type3A, %cond3A : i32
      scf.if %cond3A_112 {
        %dma_wait3A_171 = arith.constant 0 : i32
        %dma_wait3A_172 = arith.constant 0 : i32
        %dma_wait3A_173 = tpu.memref_slice %arg8[%dma_wait3A_171, %dma_wait3A_172] : memref<40x128xi32, #tpu.memory_space<vmem>> -> memref<1x128xi32, #tpu.memory_space<vmem>>
        %dma_wait3A_174 = tpu.memref_squeeze %dma_wait3A_173 : memref<1x128xi32, #tpu.memory_space<vmem>> -> memref<128xi32, #tpu.memory_space<vmem>>
        %dma_wait3A_175 = arith.constant 0 : i32
        %dma_wait3A_176 = arith.constant 0 : i32
        %dma_wait3A_177 = tpu.memref_slice %arg11[%dma_wait3A_175, %dma_wait3A_176] : memref<10240x128xf32, #tpu.memory_space<vmem_shared>> -> memref<10240x128xf32, #tpu.memory_space<vmem_shared>>
        tpu.wait_indirect_dma semaphore(%arg17 : memref<!tpu.dma_semaphore, #tpu.memory_space<semaphore_mem>>) src(%arg10 : memref<128x128xf32, #tpu.memory_space<vmem>>) dst(%dma_wait3A_177 : memref<10240x128xf32, #tpu.memory_space<vmem_shared>>)
      } else {
      }
      %add3A_113 = arith.constant 1 : i32
      %add3A_114 = arith.addi %mul3A_90, %add3A_113 : i32
      %dma_start3A_115 = arith.constant 0 : i32
      %dma_start3A_116 = arith.constant 0 : i32
      %dma_start3A_117 = tpu.memref_slice %arg10[%dma_start3A_115, %dma_start3A_116] : memref<128x128xf32, #tpu.memory_space<vmem>> -> memref<64x128xf32, #tpu.memory_space<vmem>>
      %dma_start3A_118 = arith.constant 0 : i32
      %dma_start3A_119 = tpu.memref_slice %arg7[%add3A_114, %dma_start3A_118] : memref<40x128xi32, #tpu.memory_space<vmem>> -> memref<1x64xi32, #tpu.memory_space<vmem>>
      %dma_start3A_120 = tpu.memref_squeeze %dma_start3A_119 : memref<1x64xi32, #tpu.memory_space<vmem>> -> memref<64xi32, #tpu.memory_space<vmem>>
      %dma_start3A_121 = arith.constant 0 : i32
      %dma_start3A_122 = arith.constant 0 : i32
      %dma_start3A_123 = tpu.memref_slice %arg2[%dma_start3A_121, %dma_start3A_122] : memref<10000x128xf32, #tpu.memory_space<hbm>> -> memref<10000x128xf32, #tpu.memory_space<hbm>>
      tpu.enqueue_indirect_dma source(%dma_start3A_123 : memref<10000x128xf32, #tpu.memory_space<hbm>>) target(%dma_start3A_117 : memref<64x128xf32, #tpu.memory_space<vmem>>) offsets(%dma_start3A_120 : memref<64xi32, #tpu.memory_space<vmem>>) semaphore(%arg14 : memref<!tpu.dma_semaphore, #tpu.memory_space<semaphore_mem>>)
      %dma_start3A_124 = arith.constant 64 : i32
      %dma_start3A_125 = arith.constant 0 : i32
      %dma_start3A_126 = tpu.memref_slice %arg10[%dma_start3A_124, %dma_start3A_125] : memref<128x128xf32, #tpu.memory_space<vmem>> -> memref<64x128xf32, #tpu.memory_space<vmem>>
      %dma_start3A_127 = arith.constant 64 : i32
      %dma_start3A_128 = tpu.memref_slice %arg7[%add3A_114, %dma_start3A_127] : memref<40x128xi32, #tpu.memory_space<vmem>> -> memref<1x64xi32, #tpu.memory_space<vmem>>
      %dma_start3A_129 = tpu.memref_squeeze %dma_start3A_128 : memref<1x64xi32, #tpu.memory_space<vmem>> -> memref<64xi32, #tpu.memory_space<vmem>>
      %dma_start3A_130 = arith.constant 0 : i32
      %dma_start3A_131 = arith.constant 0 : i32
      %dma_start3A_132 = tpu.memref_slice %arg2[%dma_start3A_130, %dma_start3A_131] : memref<10000x128xf32, #tpu.memory_space<hbm>> -> memref<10000x128xf32, #tpu.memory_space<hbm>>
      tpu.enqueue_indirect_dma source(%dma_start3A_132 : memref<10000x128xf32, #tpu.memory_space<hbm>>) target(%dma_start3A_126 : memref<64x128xf32, #tpu.memory_space<vmem>>) offsets(%dma_start3A_129 : memref<64xi32, #tpu.memory_space<vmem>>) semaphore(%arg15 : memref<!tpu.dma_semaphore, #tpu.memory_space<semaphore_mem>>)
      %dma_start3A_133 = arith.constant 0 : i32
      %dma_start3A_134 = tpu.memref_slice %arg8[%mul3A_90, %dma_start3A_133] : memref<40x128xi32, #tpu.memory_space<vmem>> -> memref<1x128xi32, #tpu.memory_space<vmem>>
      %dma_start3A_135 = tpu.memref_squeeze %dma_start3A_134 : memref<1x128xi32, #tpu.memory_space<vmem>> -> memref<128xi32, #tpu.memory_space<vmem>>
      %dma_start3A_136 = arith.constant 0 : i32
      %dma_start3A_137 = arith.constant 0 : i32
      %dma_start3A_138 = tpu.memref_slice %arg11[%dma_start3A_136, %dma_start3A_137] : memref<10240x128xf32, #tpu.memory_space<vmem_shared>> -> memref<10240x128xf32, #tpu.memory_space<vmem_shared>>
      tpu.enqueue_indirect_dma source(%arg9 : memref<128x128xf32, #tpu.memory_space<vmem>>) target(%dma_start3A_138 : memref<10240x128xf32, #tpu.memory_space<vmem_shared>>) offsets(%dma_start3A_135 : memref<128xi32, #tpu.memory_space<vmem>>) semaphore(%arg16 : memref<!tpu.dma_semaphore, #tpu.memory_space<semaphore_mem>>) {add = true}
      %dma_wait3A_139 = arith.constant 0 : i32
      %dma_wait3A_140 = arith.constant 0 : i32
      %dma_wait3A_141 = arith.constant 0 : i32
      %dma_wait3A_142 = tpu.memref_slice %arg10[%dma_wait3A_140, %dma_wait3A_141] : memref<128x128xf32, #tpu.memory_space<vmem>> -> memref<64x128xf32, #tpu.memory_space<vmem>>
      %dma_wait3A_143 = arith.constant 0 : i32
      %dma_wait3A_144 = tpu.memref_slice %arg7[%dma_wait3A_139, %dma_wait3A_143] : memref<40x128xi32, #tpu.memory_space<vmem>> -> memref<1x64xi32, #tpu.memory_space<vmem>>
      %dma_wait3A_145 = tpu.memref_squeeze %dma_wait3A_144 : memref<1x64xi32, #tpu.memory_space<vmem>> -> memref<64xi32, #tpu.memory_space<vmem>>
      %dma_wait3A_146 = arith.constant 0 : i32
      %dma_wait3A_147 = arith.constant 0 : i32
      %dma_wait3A_148 = tpu.memref_slice %arg2[%dma_wait3A_146, %dma_wait3A_147] : memref<10000x128xf32, #tpu.memory_space<hbm>> -> memref<10000x128xf32, #tpu.memory_space<hbm>>
      tpu.wait_indirect_dma semaphore(%arg14 : memref<!tpu.dma_semaphore, #tpu.memory_space<semaphore_mem>>) src(%dma_wait3A_148 : memref<10000x128xf32, #tpu.memory_space<hbm>>) dst(%dma_wait3A_142 : memref<64x128xf32, #tpu.memory_space<vmem>>)
      %dma_wait3A_149 = arith.constant 0 : i32
      %dma_wait3A_150 = arith.constant 64 : i32
      %dma_wait3A_151 = arith.constant 0 : i32
      %dma_wait3A_152 = tpu.memref_slice %arg10[%dma_wait3A_150, %dma_wait3A_151] : memref<128x128xf32, #tpu.memory_space<vmem>> -> memref<64x128xf32, #tpu.memory_space<vmem>>
      %dma_wait3A_153 = arith.constant 64 : i32
      %dma_wait3A_154 = tpu.memref_slice %arg7[%dma_wait3A_149, %dma_wait3A_153] : memref<40x128xi32, #tpu.memory_space<vmem>> -> memref<1x64xi32, #tpu.memory_space<vmem>>
      %dma_wait3A_155 = tpu.memref_squeeze %dma_wait3A_154 : memref<1x64xi32, #tpu.memory_space<vmem>> -> memref<64xi32, #tpu.memory_space<vmem>>
      %dma_wait3A_156 = arith.constant 0 : i32
      %dma_wait3A_157 = arith.constant 0 : i32
      %dma_wait3A_158 = tpu.memref_slice %arg2[%dma_wait3A_156, %dma_wait3A_157] : memref<10000x128xf32, #tpu.memory_space<hbm>> -> memref<10000x128xf32, #tpu.memory_space<hbm>>
      tpu.wait_indirect_dma semaphore(%arg15 : memref<!tpu.dma_semaphore, #tpu.memory_space<semaphore_mem>>) src(%dma_wait3A_158 : memref<10000x128xf32, #tpu.memory_space<hbm>>) dst(%dma_wait3A_152 : memref<64x128xf32, #tpu.memory_space<vmem>>)
      %lt3A = arith.constant 19 : i32
      %lt3A_159 = arith.cmpi slt, %scan3A_88, %lt3A : i32
      %convert_element_type3A_160 = arith.extui %lt3A_159 : i1 to i32
      %cond3A_161 = arith.constant 0 : i32
      %cond3A_162 = arith.cmpi ne, %convert_element_type3A_160, %cond3A_161 : i32
      scf.if %cond3A_162 {
        %dma_wait3A_171 = arith.constant 0 : i32
        %dma_wait3A_172 = arith.constant 0 : i32
        %dma_wait3A_173 = tpu.memref_slice %arg8[%dma_wait3A_171, %dma_wait3A_172] : memref<40x128xi32, #tpu.memory_space<vmem>> -> memref<1x128xi32, #tpu.memory_space<vmem>>
        %dma_wait3A_174 = tpu.memref_squeeze %dma_wait3A_173 : memref<1x128xi32, #tpu.memory_space<vmem>> -> memref<128xi32, #tpu.memory_space<vmem>>
        %dma_wait3A_175 = arith.constant 0 : i32
        %dma_wait3A_176 = arith.constant 0 : i32
        %dma_wait3A_177 = tpu.memref_slice %arg11[%dma_wait3A_175, %dma_wait3A_176] : memref<10240x128xf32, #tpu.memory_space<vmem_shared>> -> memref<10240x128xf32, #tpu.memory_space<vmem_shared>>
        tpu.wait_indirect_dma semaphore(%arg16 : memref<!tpu.dma_semaphore, #tpu.memory_space<semaphore_mem>>) src(%arg9 : memref<128x128xf32, #tpu.memory_space<vmem>>) dst(%dma_wait3A_177 : memref<10240x128xf32, #tpu.memory_space<vmem_shared>>)
        %add3A_178 = arith.constant 2 : i32
        %add3A_179 = arith.addi %mul3A_90, %add3A_178 : i32
        %dma_start3A_180 = arith.constant 0 : i32
        %dma_start3A_181 = arith.constant 0 : i32
        %dma_start3A_182 = tpu.memref_slice %arg9[%dma_start3A_180, %dma_start3A_181] : memref<128x128xf32, #tpu.memory_space<vmem>> -> memref<64x128xf32, #tpu.memory_space<vmem>>
        %dma_start3A_183 = arith.constant 0 : i32
        %dma_start3A_184 = tpu.memref_slice %arg7[%add3A_179, %dma_start3A_183] : memref<40x128xi32, #tpu.memory_space<vmem>> -> memref<1x64xi32, #tpu.memory_space<vmem>>
        %dma_start3A_185 = tpu.memref_squeeze %dma_start3A_184 : memref<1x64xi32, #tpu.memory_space<vmem>> -> memref<64xi32, #tpu.memory_space<vmem>>
        %dma_start3A_186 = arith.constant 0 : i32
        %dma_start3A_187 = arith.constant 0 : i32
        %dma_start3A_188 = tpu.memref_slice %arg2[%dma_start3A_186, %dma_start3A_187] : memref<10000x128xf32, #tpu.memory_space<hbm>> -> memref<10000x128xf32, #tpu.memory_space<hbm>>
        tpu.enqueue_indirect_dma source(%dma_start3A_188 : memref<10000x128xf32, #tpu.memory_space<hbm>>) target(%dma_start3A_182 : memref<64x128xf32, #tpu.memory_space<vmem>>) offsets(%dma_start3A_185 : memref<64xi32, #tpu.memory_space<vmem>>) semaphore(%arg12 : memref<!tpu.dma_semaphore, #tpu.memory_space<semaphore_mem>>)
        %dma_start3A_189 = arith.constant 64 : i32
        %dma_start3A_190 = arith.constant 0 : i32
        %dma_start3A_191 = tpu.memref_slice %arg9[%dma_start3A_189, %dma_start3A_190] : memref<128x128xf32, #tpu.memory_space<vmem>> -> memref<64x128xf32, #tpu.memory_space<vmem>>
        %dma_start3A_192 = arith.constant 64 : i32
        %dma_start3A_193 = tpu.memref_slice %arg7[%add3A_179, %dma_start3A_192] : memref<40x128xi32, #tpu.memory_space<vmem>> -> memref<1x64xi32, #tpu.memory_space<vmem>>
        %dma_start3A_194 = tpu.memref_squeeze %dma_start3A_193 : memref<1x64xi32, #tpu.memory_space<vmem>> -> memref<64xi32, #tpu.memory_space<vmem>>
        %dma_start3A_195 = arith.constant 0 : i32
        %dma_start3A_196 = arith.constant 0 : i32
        %dma_start3A_197 = tpu.memref_slice %arg2[%dma_start3A_195, %dma_start3A_196] : memref<10000x128xf32, #tpu.memory_space<hbm>> -> memref<10000x128xf32, #tpu.memory_space<hbm>>
        tpu.enqueue_indirect_dma source(%dma_start3A_197 : memref<10000x128xf32, #tpu.memory_space<hbm>>) target(%dma_start3A_191 : memref<64x128xf32, #tpu.memory_space<vmem>>) offsets(%dma_start3A_194 : memref<64xi32, #tpu.memory_space<vmem>>) semaphore(%arg13 : memref<!tpu.dma_semaphore, #tpu.memory_space<semaphore_mem>>)
      } else {
      }
      %add3A_163 = arith.constant 1 : i32
      %add3A_164 = arith.addi %mul3A_90, %add3A_163 : i32
      %dma_start3A_165 = arith.constant 0 : i32
      %dma_start3A_166 = tpu.memref_slice %arg8[%add3A_164, %dma_start3A_165] : memref<40x128xi32, #tpu.memory_space<vmem>> -> memref<1x128xi32, #tpu.memory_space<vmem>>
      %dma_start3A_167 = tpu.memref_squeeze %dma_start3A_166 : memref<1x128xi32, #tpu.memory_space<vmem>> -> memref<128xi32, #tpu.memory_space<vmem>>
      %dma_start3A_168 = arith.constant 0 : i32
      %dma_start3A_169 = arith.constant 0 : i32
      %dma_start3A_170 = tpu.memref_slice %arg11[%dma_start3A_168, %dma_start3A_169] : memref<10240x128xf32, #tpu.memory_space<vmem_shared>> -> memref<10240x128xf32, #tpu.memory_space<vmem_shared>>
      tpu.enqueue_indirect_dma source(%arg10 : memref<128x128xf32, #tpu.memory_space<vmem>>) target(%dma_start3A_170 : memref<10240x128xf32, #tpu.memory_space<vmem_shared>>) offsets(%dma_start3A_167 : memref<128xi32, #tpu.memory_space<vmem>>) semaphore(%arg17 : memref<!tpu.dma_semaphore, #tpu.memory_space<semaphore_mem>>) {add = true}
    }
    %scan3A_68 = arith.constant 20 : i32
    %dma_wait3A_69 = arith.constant 0 : i32
    %dma_wait3A_70 = arith.constant 0 : i32
    %dma_wait3A_71 = tpu.memref_slice %arg8[%dma_wait3A_69, %dma_wait3A_70] : memref<40x128xi32, #tpu.memory_space<vmem>> -> memref<1x128xi32, #tpu.memory_space<vmem>>
    %dma_wait3A_72 = tpu.memref_squeeze %dma_wait3A_71 : memref<1x128xi32, #tpu.memory_space<vmem>> -> memref<128xi32, #tpu.memory_space<vmem>>
    %dma_wait3A_73 = arith.constant 0 : i32
    %dma_wait3A_74 = arith.constant 0 : i32
    %dma_wait3A_75 = tpu.memref_slice %arg11[%dma_wait3A_73, %dma_wait3A_74] : memref<10240x128xf32, #tpu.memory_space<vmem_shared>> -> memref<10240x128xf32, #tpu.memory_space<vmem_shared>>
    tpu.wait_indirect_dma semaphore(%arg16 : memref<!tpu.dma_semaphore, #tpu.memory_space<semaphore_mem>>) src(%arg9 : memref<128x128xf32, #tpu.memory_space<vmem>>) dst(%dma_wait3A_75 : memref<10240x128xf32, #tpu.memory_space<vmem_shared>>)
    %dma_wait3A_76 = arith.constant 0 : i32
    %dma_wait3A_77 = arith.constant 0 : i32
    %dma_wait3A_78 = tpu.memref_slice %arg8[%dma_wait3A_76, %dma_wait3A_77] : memref<40x128xi32, #tpu.memory_space<vmem>> -> memref<1x128xi32, #tpu.memory_space<vmem>>
    %dma_wait3A_79 = tpu.memref_squeeze %dma_wait3A_78 : memref<1x128xi32, #tpu.memory_space<vmem>> -> memref<128xi32, #tpu.memory_space<vmem>>
    %dma_wait3A_80 = arith.constant 0 : i32
    %dma_wait3A_81 = arith.constant 0 : i32
    %dma_wait3A_82 = tpu.memref_slice %arg11[%dma_wait3A_80, %dma_wait3A_81] : memref<10240x128xf32, #tpu.memory_space<vmem_shared>> -> memref<10240x128xf32, #tpu.memory_space<vmem_shared>>
    tpu.wait_indirect_dma semaphore(%arg17 : memref<!tpu.dma_semaphore, #tpu.memory_space<semaphore_mem>>) src(%arg10 : memref<128x128xf32, #tpu.memory_space<vmem>>) dst(%dma_wait3A_82 : memref<10240x128xf32, #tpu.memory_space<vmem_shared>>)
    %barrier3A_83 = arith.constant 0 : index
    tpu.barrier barrier_id(%barrier3A_83)
    %mul3A_84 = arith.constant 640 : i32
    %mul3A_85 = arith.muli %arg1, %mul3A_84 : i32
    %mul3A_86 = arith.constant 640 : i32
    %mul3A_87 = arith.muli %arg1, %mul3A_86 : i32
    "tpu.region"() ({
      %run_scoped3A_88 = tpu.sem_alloc : memref<!tpu.dma_semaphore, #tpu.memory_space<semaphore_mem>>
      %dma_start3A_89 = arith.constant 0 : i32
      %dma_start3A_90 = tpu.memref_slice %arg6[%arg0, %mul3A_87, %dma_start3A_89] : memref<2x10240x128xf32, #tpu.memory_space<hbm>> -> memref<1x640x128xf32, #tpu.memory_space<hbm>>
      %dma_start3A_91 = tpu.memref_squeeze %dma_start3A_90 : memref<1x640x128xf32, #tpu.memory_space<hbm>> -> memref<640x128xf32, #tpu.memory_space<hbm>>
      %dma_start3A_92 = arith.constant 0 : i32
      %dma_start3A_93 = tpu.memref_slice %arg11[%mul3A_85, %dma_start3A_92] : memref<10240x128xf32, #tpu.memory_space<vmem_shared>> -> memref<640x128xf32, #tpu.memory_space<vmem_shared>>
      tpu.enqueue_dma source(%dma_start3A_93 : memref<640x128xf32, #tpu.memory_space<vmem_shared>>) target(%dma_start3A_91 : memref<640x128xf32, #tpu.memory_space<hbm>>) target_semaphore(%run_scoped3A_88 : memref<!tpu.dma_semaphore, #tpu.memory_space<semaphore_mem>>)
      %dma_wait3A_94 = arith.constant 0 : i32
      %dma_wait3A_95 = tpu.memref_slice %arg6[%arg0, %mul3A_87, %dma_wait3A_94] : memref<2x10240x128xf32, #tpu.memory_space<hbm>> -> memref<1x640x128xf32, #tpu.memory_space<hbm>>
      %dma_wait3A_96 = tpu.memref_squeeze %dma_wait3A_95 : memref<1x640x128xf32, #tpu.memory_space<hbm>> -> memref<640x128xf32, #tpu.memory_space<hbm>>
      %dma_wait3A_97 = arith.constant 0 : i32
      %dma_wait3A_98 = tpu.memref_slice %arg11[%mul3A_85, %dma_wait3A_97] : memref<10240x128xf32, #tpu.memory_space<vmem_shared>> -> memref<640x128xf32, #tpu.memory_space<vmem_shared>>
      tpu.wait_dma2 semaphore(%run_scoped3A_88 : memref<!tpu.dma_semaphore, #tpu.memory_space<semaphore_mem>>) src(%dma_wait3A_98 : memref<640x128xf32, #tpu.memory_space<vmem_shared>>) dst(%dma_wait3A_96 : memref<640x128xf32, #tpu.memory_space<hbm>>)
      tpu.yield
    }) : () -> ()
    return
  }
}

module attributes {stable_mosaic.version = 14 : i64} {
  func.func @_hs_body(%arg0: i32, %arg1: memref<2000x128xf32, #tpu.memory_space<vmem>>, %arg2: memref<128x128xf32, #tpu.memory_space<vmem>>, %arg3: memref<1x32x2000xf32, #tpu.memory_space<vmem>>, %arg4: memref<2000x128xf32, #tpu.memory_space<vmem>>, %arg5: memref<2000x1xf32, #tpu.memory_space<vmem>>) attributes {dimension_semantics = [#tpu.dimension_semantics<arbitrary>], iteration_bounds = array<i64: 5>, scalar_prefetch = 0 : i64, scratch_operands = 0 : i64, tpu.core_type = #tpu.core_type<tc>, window_params = [{transform_indices = @transform_0, window_bounds = array<i64: 2000, 128>}, {pipeline_mode = #tpu.pipeline_mode<synchronous>, transform_indices = @transform_1, window_bounds = array<i64: 128, 128>}, {transform_indices = @transform_2, window_bounds = array<i64: 1, 32, 2000>}, {transform_indices = @transform_3, window_bounds = array<i64: 2000, 128>}, {transform_indices = @transform_4, window_bounds = array<i64: 2000, 1>}]} {
    %get3A = arith.constant 0 : index
    %get3A_0 = arith.constant 0 : index
    %get3A_1 = arith.constant 0 : index
    %get3A_2 = vector.load %arg3[%get3A, %get3A_0, %get3A_1] : memref<1x32x2000xf32, #tpu.memory_space<vmem>>, vector<1x32x2000xf32>
    %get3A_3 = vector.shape_cast %get3A_2 : vector<1x32x2000xf32> to vector<32x2000xf32>
    %broadcast_in_dim3A = arith.constant 1.000000e+00 : f32
    %broadcast_in_dim3A_4 = vector.broadcast %broadcast_in_dim3A : f32 to vector<32x1xf32>
    %dot_general3A = arith.constant dense<0.000000e+00> : vector<2000x1xf32>
    %dot_general3A_5 = tpu.matmul %get3A_3, %broadcast_in_dim3A_4, %dot_general3A {dimension_numbers = #tpu.dot_dimension_numbers<[0], [0], [1], [1], [0, 1, 1, 1], [], []>, transpose_lhs_hint = false} : vector<32x2000xf32>, vector<32x1xf32>, vector<2000x1xf32> -> vector<2000x1xf32>
    %add3A = arith.constant 1.000000e+00 : f32
    %add3A_6 = vector.broadcast %add3A : f32 to vector<2000x1xf32>
    %add3A_7 = arith.addf %dot_general3A_5, %add3A_6 : vector<2000x1xf32>
    %rsqrt3A = math.rsqrt %add3A_7 : vector<2000x1xf32>
    %get3A_8 = arith.constant 0 : index
    %get3A_9 = arith.constant 0 : index
    %get3A_10 = vector.load %arg1[%get3A_8, %get3A_9] : memref<2000x128xf32, #tpu.memory_space<vmem>>, vector<2000x128xf32>
    %get3A_11 = arith.constant 0 : index
    %get3A_12 = arith.constant 0 : index
    %get3A_13 = vector.load %arg2[%get3A_11, %get3A_12] : memref<128x128xf32, #tpu.memory_space<vmem>>, vector<128x128xf32>
    %dot_general3A_14 = arith.constant dense<0.000000e+00> : vector<2000x128xf32>
    %dot_general3A_15 = tpu.matmul %get3A_10, %get3A_13, %dot_general3A_14 {dimension_numbers = #tpu.dot_dimension_numbers<[1], [0], [0], [1], [0, 0, 1, 1], [], []>, transpose_lhs_hint = false} : vector<2000x128xf32>, vector<128x128xf32>, vector<2000x128xf32> -> vector<2000x128xf32>
    %mul3A = vector.broadcast %rsqrt3A : vector<2000x1xf32> to vector<2000x128xf32>
    %mul3A_16 = arith.mulf %mul3A, %dot_general3A_15 : vector<2000x128xf32>
    %swap3A = arith.constant 0 : index
    %swap3A_17 = arith.constant 0 : index
    %swap3A_18 = vector.load %arg4[%swap3A, %swap3A_17] : memref<2000x128xf32, #tpu.memory_space<vmem>>, vector<2000x128xf32>
    tpu.vector_store %arg4[%swap3A, %swap3A_17], %mul3A_16 {strides = array<i32>} : memref<2000x128xf32, #tpu.memory_space<vmem>>, vector<2000x128xf32>,
    %swap3A_19 = arith.constant 0 : index
    %swap3A_20 = arith.constant 0 : index
    %swap3A_21 = vector.load %arg5[%swap3A_19, %swap3A_20] : memref<2000x1xf32, #tpu.memory_space<vmem>>, vector<2000x1xf32>
    tpu.vector_store %arg5[%swap3A_19, %swap3A_20], %rsqrt3A {strides = array<i32>} : memref<2000x1xf32, #tpu.memory_space<vmem>>, vector<2000x1xf32>,
    return
  }
  func.func @transform_0(%arg0: i32) -> (i32, i32) {
    %c0_i32 = arith.constant 0 : i32
    %c0_i32_0 = arith.constant 0 : i32
    return %arg0, %c0_i32 : i32, i32
  }
  func.func @transform_1(%arg0: i32) -> (i32, i32) {
    %c0_i32 = arith.constant 0 : i32
    %c0_i32_0 = arith.constant 0 : i32
    %c0_i32_1 = arith.constant 0 : i32
    return %c0_i32, %c0_i32_0 : i32, i32
  }
  func.func @transform_2(%arg0: i32) -> (i32, i32, i32) {
    %c0_i32 = arith.constant 0 : i32
    %c0_i32_0 = arith.constant 0 : i32
    %c0_i32_1 = arith.constant 0 : i32
    return %arg0, %c0_i32, %c0_i32_0 : i32, i32, i32
  }
  func.func @transform_3(%arg0: i32) -> (i32, i32) {
    %c0_i32 = arith.constant 0 : i32
    %c0_i32_0 = arith.constant 0 : i32
    return %arg0, %c0_i32 : i32, i32
  }
  func.func @transform_4(%arg0: i32) -> (i32, i32) {
    %c0_i32 = arith.constant 0 : i32
    %c0_i32_0 = arith.constant 0 : i32
    return %arg0, %c0_i32 : i32, i32
  }
}

module attributes {stable_mosaic.version = 14 : i64} {
  func.func @_final_body(%arg0: i32, %arg1: memref<2x2000x128xf32, #tpu.memory_space<vmem>>, %arg2: memref<2000x128xf32, #tpu.memory_space<vmem>>, %arg3: memref<2000x1xf32, #tpu.memory_space<vmem>>, %arg4: memref<2000x1xi32, #tpu.memory_space<vmem>>, %arg5: memref<128x10xf32, #tpu.memory_space<vmem>>, %arg6: memref<128x10xf32, #tpu.memory_space<vmem>>, %arg7: memref<128x128xf32, #tpu.memory_space<vmem>>, %arg8: memref<128x1xf32, #tpu.memory_space<vmem>>) attributes {dimension_semantics = [#tpu.dimension_semantics<arbitrary>], iteration_bounds = array<i64: 5>, scalar_prefetch = 0 : i64, scratch_operands = 2 : i64, tpu.core_type = #tpu.core_type<tc>, window_params = [{transform_indices = @transform_0, window_bounds = array<i64: 2, 2000, 128>}, {transform_indices = @transform_1, window_bounds = array<i64: 2000, 128>}, {transform_indices = @transform_2, window_bounds = array<i64: 2000, 1>}, {transform_indices = @transform_3, window_bounds = array<i64: 2000, 1>}, {pipeline_mode = #tpu.pipeline_mode<synchronous>, transform_indices = @transform_4, window_bounds = array<i64: 128, 10>}, {pipeline_mode = #tpu.pipeline_mode<synchronous>, transform_indices = @transform_5, window_bounds = array<i64: 128, 10>}]} {
    %eq3A = arith.constant 0 : i32
    %eq3A_0 = arith.cmpi eq, %arg0, %eq3A : i32
    %convert_element_type3A = arith.extui %eq3A_0 : i1 to i32
    %cond3A = arith.constant 0 : i32
    %cond3A_1 = arith.cmpi ne, %convert_element_type3A, %cond3A : i32
    scf.if %cond3A_1 {
      %broadcast_in_dim3A_44 = arith.constant 0.000000e+00 : f32
      %broadcast_in_dim3A_45 = vector.broadcast %broadcast_in_dim3A_44 : f32 to vector<128x128xf32>
      %swap3A_46 = arith.constant 0 : index
      %swap3A_47 = arith.constant 0 : index
      %swap3A_48 = vector.load %arg7[%swap3A_46, %swap3A_47] : memref<128x128xf32, #tpu.memory_space<vmem>>, vector<128x128xf32>
      tpu.vector_store %arg7[%swap3A_46, %swap3A_47], %broadcast_in_dim3A_45 {strides = array<i32>} : memref<128x128xf32, #tpu.memory_space<vmem>>, vector<128x128xf32>,
      %broadcast_in_dim3A_49 = arith.constant 0.000000e+00 : f32
      %broadcast_in_dim3A_50 = vector.broadcast %broadcast_in_dim3A_49 : f32 to vector<128x1xf32>
      %swap3A_51 = arith.constant 0 : index
      %swap3A_52 = arith.constant 0 : index
      %swap3A_53 = vector.load %arg8[%swap3A_51, %swap3A_52] : memref<128x1xf32, #tpu.memory_space<vmem>>, vector<128x1xf32>
      tpu.vector_store %arg8[%swap3A_51, %swap3A_52], %broadcast_in_dim3A_50 {strides = array<i32>} : memref<128x1xf32, #tpu.memory_space<vmem>>, vector<128x1xf32>,
    } else {
    }
    %get3A = arith.constant 0 : index
    %get3A_2 = arith.constant 0 : index
    %get3A_3 = arith.constant 0 : index
    %get3A_4 = vector.load %arg1[%get3A, %get3A_2, %get3A_3] : memref<2x2000x128xf32, #tpu.memory_space<vmem>>, vector<2x2000x128xf32>
    %reduce_sum3A = arith.constant dense<0.000000e+00> : vector<2000x128xf32>
    %reduce_sum3A_5 = vector.multi_reduction <add>, %get3A_4, %reduce_sum3A [0] : vector<2x2000x128xf32> to vector<2000x128xf32>
    %get3A_6 = arith.constant 0 : index
    %get3A_7 = arith.constant 0 : index
    %get3A_8 = vector.load %arg3[%get3A_6, %get3A_7] : memref<2000x1xf32, #tpu.memory_space<vmem>>, vector<2000x1xf32>
    %get3A_9 = arith.constant 0 : index
    %get3A_10 = arith.constant 0 : index
    %get3A_11 = vector.load %arg2[%get3A_9, %get3A_10] : memref<2000x128xf32, #tpu.memory_space<vmem>>, vector<2000x128xf32>
    %add3A = arith.addf %reduce_sum3A_5, %get3A_11 : vector<2000x128xf32>
    %mul3A = vector.broadcast %get3A_8 : vector<2000x1xf32> to vector<2000x128xf32>
    %mul3A_12 = arith.mulf %mul3A, %add3A : vector<2000x128xf32>
    %max3A = arith.constant 0.000000e+00 : f32
    %max3A_13 = vector.broadcast %max3A : f32 to vector<2000x128xf32>
    %max3A_14 = arith.maximumf %mul3A_12, %max3A_13 : vector<2000x128xf32>
    %get3A_15 = arith.constant 0 : index
    %get3A_16 = arith.constant 0 : index
    %get3A_17 = vector.load %arg4[%get3A_15, %get3A_16] : memref<2000x1xi32, #tpu.memory_space<vmem>>, vector<2000x1xi32>
    %iota3A = tpu.iota {dimensions = array<i32: 1>} : vector<2000x128xi32>
    %eq3A_18 = vector.broadcast %get3A_17 : vector<2000x1xi32> to vector<2000x128xi32>
    %eq3A_19 = arith.cmpi eq, %eq3A_18, %iota3A : vector<2000x128xi32>
    %convert_element_type3A_20 = arith.extui %eq3A_19 : vector<2000x128xi1> to vector<2000x128xi32>
    %convert_element_type3A_21 = arith.sitofp %convert_element_type3A_20 : vector<2000x128xi32> to vector<2000x128xf32>
    %get3A_22 = arith.constant 0 : index
    %get3A_23 = arith.constant 0 : index
    %get3A_24 = vector.load %arg7[%get3A_22, %get3A_23] : memref<128x128xf32, #tpu.memory_space<vmem>>, vector<128x128xf32>
    %dot_general3A = arith.constant dense<0.000000e+00> : vector<128x128xf32>
    %dot_general3A_25 = tpu.matmul %convert_element_type3A_21, %max3A_14, %dot_general3A {dimension_numbers = #tpu.dot_dimension_numbers<[0], [0], [1], [1], [0, 1, 1, 1], [], []>, transpose_lhs_hint = false} : vector<2000x128xf32>, vector<2000x128xf32>, vector<128x128xf32> -> vector<128x128xf32>
    %add3A_26 = arith.addf %get3A_24, %dot_general3A_25 : vector<128x128xf32>
    %swap3A = arith.constant 0 : index
    %swap3A_27 = arith.constant 0 : index
    %swap3A_28 = vector.load %arg7[%swap3A, %swap3A_27] : memref<128x128xf32, #tpu.memory_space<vmem>>, vector<128x128xf32>
    tpu.vector_store %arg7[%swap3A, %swap3A_27], %add3A_26 {strides = array<i32>} : memref<128x128xf32, #tpu.memory_space<vmem>>, vector<128x128xf32>,
    %get3A_29 = arith.constant 0 : index
    %get3A_30 = arith.constant 0 : index
    %get3A_31 = vector.load %arg8[%get3A_29, %get3A_30] : memref<128x1xf32, #tpu.memory_space<vmem>>, vector<128x1xf32>
    %broadcast_in_dim3A = arith.constant 1.000000e+00 : f32
    %broadcast_in_dim3A_32 = vector.broadcast %broadcast_in_dim3A : f32 to vector<2000x1xf32>
    %dot_general3A_33 = arith.constant dense<0.000000e+00> : vector<128x1xf32>
    %dot_general3A_34 = tpu.matmul %convert_element_type3A_21, %broadcast_in_dim3A_32, %dot_general3A_33 {dimension_numbers = #tpu.dot_dimension_numbers<[0], [0], [1], [1], [0, 1, 1, 1], [], []>, transpose_lhs_hint = false} : vector<2000x128xf32>, vector<2000x1xf32>, vector<128x1xf32> -> vector<128x1xf32>
    %add3A_35 = arith.addf %get3A_31, %dot_general3A_34 : vector<128x1xf32>
    %swap3A_36 = arith.constant 0 : index
    %swap3A_37 = arith.constant 0 : index
    %swap3A_38 = vector.load %arg8[%swap3A_36, %swap3A_37] : memref<128x1xf32, #tpu.memory_space<vmem>>, vector<128x1xf32>
    tpu.vector_store %arg8[%swap3A_36, %swap3A_37], %add3A_35 {strides = array<i32>} : memref<128x1xf32, #tpu.memory_space<vmem>>, vector<128x1xf32>,
    %eq3A_39 = arith.constant 4 : i32
    %eq3A_40 = arith.cmpi eq, %arg0, %eq3A_39 : i32
    %convert_element_type3A_41 = arith.extui %eq3A_40 : i1 to i32
    %cond3A_42 = arith.constant 0 : i32
    %cond3A_43 = arith.cmpi ne, %convert_element_type3A_41, %cond3A_42 : i32
    scf.if %cond3A_43 {
      %get3A_44 = arith.constant 0 : index
      %get3A_45 = arith.constant 0 : index
      %get3A_46 = vector.load %arg7[%get3A_44, %get3A_45] : memref<128x128xf32, #tpu.memory_space<vmem>>, vector<128x128xf32>
      %get3A_47 = arith.constant 0 : index
      %get3A_48 = arith.constant 0 : index
      %get3A_49 = vector.load %arg8[%get3A_47, %get3A_48] : memref<128x1xf32, #tpu.memory_space<vmem>>, vector<128x1xf32>
      %max3A_50 = arith.constant 1.000000e+00 : f32
      %max3A_51 = vector.broadcast %max3A_50 : f32 to vector<128x1xf32>
      %max3A_52 = arith.maximumf %get3A_49, %max3A_51 : vector<128x1xf32>
      %div3A = vector.broadcast %max3A_52 : vector<128x1xf32> to vector<128x128xf32>
      %div3A_53 = arith.divf %get3A_46, %div3A : vector<128x128xf32>
      %get3A_54 = arith.constant 0 : index
      %get3A_55 = arith.constant 0 : index
      %get3A_56 = vector.load %arg5[%get3A_54, %get3A_55] : memref<128x10xf32, #tpu.memory_space<vmem>>, vector<128x10xf32>
      %dot_general3A_57 = arith.constant dense<0.000000e+00> : vector<128x10xf32>
      %dot_general3A_58 = tpu.matmul %div3A_53, %get3A_56, %dot_general3A_57 {dimension_numbers = #tpu.dot_dimension_numbers<[1], [0], [0], [1], [0, 0, 1, 1], [], []>, transpose_lhs_hint = false} : vector<128x128xf32>, vector<128x10xf32>, vector<128x10xf32> -> vector<128x10xf32>
      %swap3A_59 = arith.constant 0 : index
      %swap3A_60 = arith.constant 0 : index
      %swap3A_61 = vector.load %arg6[%swap3A_59, %swap3A_60] : memref<128x10xf32, #tpu.memory_space<vmem>>, vector<128x10xf32>
      tpu.vector_store %arg6[%swap3A_59, %swap3A_60], %dot_general3A_58 {strides = array<i32>} : memref<128x10xf32, #tpu.memory_space<vmem>>, vector<128x10xf32>,
    } else {
    }
    return
  }
  func.func @transform_0(%arg0: i32) -> (i32, i32, i32) {
    %c0_i32 = arith.constant 0 : i32
    %c0_i32_0 = arith.constant 0 : i32
    %c0_i32_1 = arith.constant 0 : i32
    return %c0_i32, %arg0, %c0_i32_0 : i32, i32, i32
  }
  func.func @transform_1(%arg0: i32) -> (i32, i32) {
    %c0_i32 = arith.constant 0 : i32
    %c0_i32_0 = arith.constant 0 : i32
    return %arg0, %c0_i32 : i32, i32
  }
  func.func @transform_2(%arg0: i32) -> (i32, i32) {
    %c0_i32 = arith.constant 0 : i32
    %c0_i32_0 = arith.constant 0 : i32
    return %arg0, %c0_i32 : i32, i32
  }
  func.func @transform_3(%arg0: i32) -> (i32, i32) {
    %c0_i32 = arith.constant 0 : i32
    %c0_i32_0 = arith.constant 0 : i32
    return %arg0, %c0_i32 : i32, i32
  }
  func.func @transform_4(%arg0: i32) -> (i32, i32) {
    %c0_i32 = arith.constant 0 : i32
    %c0_i32_0 = arith.constant 0 : i32
    %c0_i32_1 = arith.constant 0 : i32
    return %c0_i32, %c0_i32_0 : i32, i32
  }
  func.func @transform_5(%arg0: i32) -> (i32, i32) {
    %c0_i32 = arith.constant 0 : i32
    %c0_i32_0 = arith.constant 0 : i32
    %c0_i32_1 = arith.constant 0 : i32
    return %c0_i32, %c0_i32_0 : i32, i32
  }
}

</mosaic_0001>

<sc_bundles>
// kernel: kernel.6.cloned.1.call-start
scs
__scs_entry_jumppad:
0x0: {  	(pc) =	sbr.rel $0x88, $3  }
0x1: {  	(tag) =	ssettag $0x0;
	lr =	simm.s32 $0x1  }
0x2: {  	[smem:$0x3F9C] =	sst lr;
	_ =	strace $0xD0000000  }
0x3: {  	_ = 	snop  }
0x4: {  	_ = 	snop  }
0x5: {  	_ = 	snop  }
0x6: {  	_ = 	snop  }
0x7: {  	_ = 	snop  }
__scs_overlays_trampoline_lowered:
0x8: {  	[smem:$0x3FAB] =	sst s0  }
0x9: {  	[smem:$0x3FAC] =	sst s1  }
0xa: {  	[smem:$0x3FAD] =	sst s2  }
0xb: {  	[smem:$0x3FAE] =	sst s3  }
0xc: {  	[smem:$0x3FAF] =	sst s4  }
0xd: {  	[smem:$0x3FB0] =	sst s5  }
0xe: {  	[smem:$0x3FB1] =	sst s6  }
0xf: {  	[smem:$0x3FB2] =	sst s7  }
0x10: {  	[smem:$0x3FB3] =	sst s8  }
0x11: {  	[smem:$0x3FB4] =	sst s9;
	s0 =	simm.s32 @!p0 $0x0  }
0x12: {  	s1 =	sld [smem:$0x3F9A];
	s0 =	simm.s32 @p0 $0x1  }
0x13: {  	[smem:$0x3FB5] =	sst s0;
	s0 =	simm.s32 @!p1 $0x0  }
0x14: {  	s2 =	sld [smem:$0x3F99];
	s0 =	simm.s32 @p1 $0x1  }
0x15: {  	[smem:$0x3FB6] =	sst s0;
	s0 =	simm.s32 @!p2 $0x0  }
0x16: {  	s3 =	sld [smem:$0x3FDB];
	s0 =	simm.s32 @p2 $0x1  }
0x17: {  	s4 =	simm.s32 $0x1BF5;
	[smem:$0x3FB8] =	sst s0  }
0x18: {  	s0 =	sld [smem:$0x3F9B];
	_ =	swait.ge [sflag:s4], $0x0  }
0x19: {  	s7 =	sld [smem:$0x3F9C]  }
0x1a: {  	s8 =	sadd.s32 $0xFFFFE003, lr  }
0x1b: {  	s9 =	sadd.s32 $0xFFFFFEF7, lr;
	s5 =	simm.s32 $0xFFFFFFFF;
	p2 =	slt.u32 s8, $0xFFFFF086  }
0x1c: {  	p1 =	slt.u32 s9, $0xF7A;
	s5 =	simm.s32 @!p2 $0x0  }
0x1d: {  	s5 =	simm.s32 @p1 $0x1;
	p0 =	seq.s32 s7, s2  }
0x1e: {  	s7 =	smul.u32 @!p0 $0xF7A, s2;
	p2 =	seq.s32 @!p0 s5, $0x0  }
0x1f: {  	s9 =	smul.u32 $0xF7A, s1;
	s8 =	simm.s32 @!p0 $0x1BF5;
	p2 =	por !p2, p0  }
0x20: {  	[sflag:s8] =	ssyncset.s32 @!p0 $0xFFFFF086;
	s6 =	sadd.s32 @!p0 s3, s7;
	s7 =	simm.s32 @!p0 $0x108  }
0x21: {  	s3 =	sadd.s32 s3, s9;
	s6 =	sadd.s32 @!p0 $0x88, s6;
	s7 =	simm.s32 @p2 $0x1082  }
0x22: {  	[simem:s7], [sflag:s8] =	dma.local @!p0 [hbm:s6], $0xF7A  }
0x23: {  	s9 =	sor.u32 $0xD0000000, s2;
	s6 =	simm.s32 $0x108;
	_ =	swait.ge @!p0 [sflag:s8], $0x0  }
0x24: {  	s3 =	sadd.s32 $0x88, s3;
	s6 =	simm.s32 @!p1 $0x1082;
	[sflag:s4] =	ssyncset.s32 $0xFFFFF086  }
0x25: {  	[simem:s6], [sflag:s4] =	dma.local [hbm:s3], $0xF7A  }
0x26: {  	[smem:$0x3F9C] =	sst s1;
	(tag) =	ssettag s2;
	_ =	strace s9  }
0x27: {  	s1 =	sld [smem:$0x3FAC]  }
0x28: {  	s2 =	sld [smem:$0x3FAD]  }
0x29: {  	s4 =	sld [smem:$0x3FAF]  }
0x2a: {  	p0 =	seq.s32 s5, $0x0;
	s5 =	sld [smem:$0x3FB0]  }
0x2b: {  	s6 =	sld [smem:$0x3FB1]  }
0x2c: {  	s7 =	sld [smem:$0x3FB2]  }
0x2d: {  	s3 =	simm.s32 $0x108;
	s8 =	sld [smem:$0x3FB3]  }
0x2e: {  	s3 =	simm.s32 @!p0 $0x1082;
	s9 =	sld [smem:$0x3FB4]  }
0x2f: {  	lr =	sadd.s32 s0, s3;
	s0 =	sld [smem:$0x3FAB]  }
0x30: {  	s3 =	sld [smem:$0x3FAE]  }
0x31: {  	[smem:$0x3FB7] =	sst s10  }
0x32: {  	s10 =	sld [smem:$0x3FB5];
	_ =	sdelay $0x3  }
0x33: {  	p0 =	seq.s32 s10, $0x1;
	s10 =	sld [smem:$0x3FB7];
	_ =	sdelay $0x3  }
0x34: {  	[smem:$0x3FB7] =	sst s10  }
0x35: {  	s10 =	sld [smem:$0x3FB6];
	_ =	sdelay $0x3  }
0x36: {  	p1 =	seq.s32 s10, $0x1;
	s10 =	sld [smem:$0x3FB7];
	_ =	sdelay $0x3  }
0x37: {  	[smem:$0x3FB7] =	sst s10  }
0x38: {  	s10 =	sld [smem:$0x3FB8]  }
0x39: {  	_ = 	snop;
	(pc) =	sbr.ind lr, $3  }
0x3a: {  	_ = 	snop  }
0x3b: {  	_ = 	snop  }
0x3c: {  	p2 =	seq.s32 s10, $0x1;
	s10 =	sld [smem:$0x3FB7]  }
0x3d: {  	_ =	shalt  }
0x3e: {  	_ =	shalt  }
0x3f: {  	_ =	shalt  }
0x40: {  	_ =	shalt  }
0x41: {  	_ =	shalt  }
0x42: {  	_ =	shalt  }
0x43: {  	_ =	shalt  }
0x44: {  	_ =	shalt  }
0x45: {  	_ =	shalt  }
0x46: {  	_ =	shalt  }
0x47: {  	_ =	shalt  }
0x48: {  	_ =	shalt  }
0x49: {  	_ =	shalt  }
0x4a: {  	_ =	shalt  }
0x4b: {  	_ =	shalt  }
0x4c: {  	_ =	shalt  }
0x4d: {  	_ =	shalt  }
0x4e: {  	_ =	shalt  }
0x4f: {  	_ =	shalt  }
0x50: {  	_ =	shalt  }
0x51: {  	_ =	shalt  }
0x52: {  	_ =	shalt  }
0x53: {  	_ =	shalt  }
0x54: {  	_ =	shalt  }
0x55: {  	_ =	shalt  }
0x56: {  	_ =	shalt  }
0x57: {  	_ =	shalt  }
0x58: {  	_ =	shalt  }
0x59: {  	_ =	shalt  }
0x5a: {  	_ =	shalt  }
0x5b: {  	_ =	shalt  }
0x5c: {  	_ =	shalt  }
0x5d: {  	_ =	shalt  }
0x5e: {  	_ =	shalt  }
0x5f: {  	_ =	shalt  }
0x60: {  	_ =	shalt  }
0x61: {  	_ =	shalt  }
0x62: {  	_ =	shalt  }
0x63: {  	_ =	shalt  }
0x64: {  	_ =	shalt  }
0x65: {  	_ =	shalt  }
0x66: {  	_ =	shalt  }
0x67: {  	_ =	shalt  }
0x68: {  	_ =	shalt  }
0x69: {  	_ =	shalt  }
0x6a: {  	_ =	shalt  }
0x6b: {  	_ =	shalt  }
0x6c: {  	_ =	shalt  }
0x6d: {  	_ =	shalt  }
0x6e: {  	_ =	shalt  }
0x6f: {  	_ =	shalt  }
0x70: {  	_ =	shalt  }
0x71: {  	_ =	shalt  }
0x72: {  	_ =	shalt  }
0x73: {  	_ =	shalt  }
0x74: {  	_ =	shalt  }
0x75: {  	_ =	shalt  }
0x76: {  	_ =	shalt  }
0x77: {  	_ =	shalt  }
0x78: {  	_ =	shalt  }
0x79: {  	_ =	shalt  }
0x7a: {  	_ =	shalt  }
0x7b: {  	_ =	shalt  }
0x7c: {  	_ =	shalt  }
0x7d: {  	_ =	shalt  }
0x7e: {  	_ =	shalt  }
0x7f: {  	_ =	shalt  }
0x80: {  	_ =	shalt  }
0x81: {  	_ =	shalt  }
0x82: {  	_ =	shalt  }
0x83: {  	_ =	shalt  }
0x84: {  	_ =	shalt  }
0x85: {  	_ =	shalt  }
0x86: {  	_ =	shalt  }
0x87: {  	_ =	shalt  }
.Lfunc_end0:
.L_simem_size_0:
called_computation_lowered:
.L_overlay_start_0:
0x88: {  	s2 =	sld [smem:$0x3FD9]  }
0x89: {  	s3 =	sld [smem:$0x3FFE];
	_ =	sdelay $0x1  }
0x8a: {  	s1 =	srdreg.scid  }
0x8b: {  	s0 =	sand.u32 $0x1, s1  }
0x8c: {  	s16 =	sshll.u32 s0, $0xA;
	s2 =	sadd.s32 s3, s2  }
0x8d: {  	s2 =	sadd.s32 s2, s16  }
0x8e: {  	[smem:$0x3FC3] =	sst s2  }
0x8f: {  	_ = 	snop  }
0x90: {  	(tm) =	ssettm $0x1  }
0x91: {  	s17 =	sld [smem:$0x3FFB];
	_ =	sdelay $0x3  }
0x92: {  	_ =	strace s17  }
0x93: {  	s2 =	sld [smem:$0x3FFC];
	_ =	sdelay $0x3  }
0x94: {  	_ =	strace s2  }
0x95: {  	s2 =	sld [smem:$0x3FFD];
	_ =	sdelay $0x3  }
0x96: {  	_ =	strace s2  }
0x97: {  	_ =	strace $0x8FFFFFFF  }
0x98: {  	s18 =	sld [smem:$0x3FDB];
	_ =	sdelay $0x1  }
0x99: {  	s19 =	simm.s32 $_scs_section_size  }
0x9a: {  	s4 =	simm.s32 $_size__tile_overlayer_lowered;
	s5 =	simm.s32 $_tile_overlayer_lowered  }
0x9b: {  	s22 =	simm.s32 $0x1BFF;
	s21 =	sshll.u32 s5, $0x1;
	s2 =	sadd.s32 s19, s18  }
0x9c: {  	s6 =	simm.s32 $0x0;
	s20 =	sshll.u32 s4, $0x1;
	s4 =	sadd.s32 s21, s2  }
0x9d: {  	[timem:s6], [sflag:s22] =	dma.local [hbm:s4], s20  }
0x9e: {  	_ =	swait.ge [sflag:s22], s20  }
0x9f: {  	s3 =	ssub.s32 $0x0, s20;
	[sflag:s22] =	ssyncset.done $0x0  }
0xa0: {  	[sflag:s22] =	ssyncadd.s32 s3;
	_ =	sdelay $0x1  }
0xa1: {  	s23 =	simm.s32 $0x1B8B  }
0xa2: {  	_ =	swait.ge [sflag:s23], $0x1  }
0xa3: {  	[sflag:s23] =	ssyncset.done $0x0  }
0xa4: {  	s25 =	simm.s32 $0x1B8E;
	s24 =	sld [smem:$0x3FFE];
	[sflag:s23] =	ssyncadd.s32 $0xFFFFFFFF  }
0xa5: {  	s26 =	simm.s32 $execute0_lowered;
	[smem:$0x3FD2] =	sst s25  }
0xa6: {  	s4 =	sshll.u32 s26, $0x1;
	_ =	strace $0x80000046;
	[dreg:$0x1] =	wrdreg $0xFFFFFFFF  }
0xa7: {  	s28 =	simm.s32 $_size_execute0_lowered;
	s2 =	sadd.s32 s2, s4;
	[dreg:$0x0] =	wrdreg $0x0  }
0xa8: {  	s4 =	sshll.u32 s28, $0x1;
	[dreg:$0x2] =	wrdreg s2  }
0xa9: {  	[dreg:$0x3] =	wrdreg s4  }
0xaa: {  	[dreg:$0x4] =	wrdreg $0xC0  }
0xab: {  	_ =	task [dreg:s6], $0x5FFFF  }
0xac: {  	[dreg:$0x1] =	wrdreg $0xFFFFFFFF  }
0xad: {  	[dreg:$0x0] =	wrdreg $0x60  }
0xae: {  	[dreg:$0x2] =	wrdreg s24  }
0xaf: {  	[dreg:$0x3] =	wrdreg $0x9  }
0xb0: {  	_ =	task.clear_ibuf [dreg:s6], $0x4FFFF;
	_ =	strace $0x90000046  }
0xb1: {  	s29 =	simm.s32 $0x9;
	_ =	strace $0x80000048  }
0xb2: {  	_ =	swait.ge [sflag:s29], $0x1  }
0xb3: {  	[sflag:s29] =	ssyncadd.s32 $0xFFFFFFFF  }
0xb4: {  	_ =	strace $0x90000048  }
0xb5: {  	_ =	sfence  }
0xb6: {  	s30 =	sld [smem:$0x0];
	_ =	sdelay $0x2  }
0xb7: {  	s31 =	sshll.u32 s1, $0xD;
	s1 =	sshrl.u32 s1, $0x2  }
0xb8: {  	s3 =	sand.u32 $0x4000, s31;
	s1 =	sadd.s32 s1, s30  }
0xb9: {  	s0 =	sor.u32 s3, s0;
	s1 =	sshll.u32 s1, $0x11  }
0xba: {  	s0 =	sor.u32 s1, s0  }
0xbb: {  	s0 =	sadd.s32 $0x8F2B, s0  }
0xbc: {  	[sflag:s0] =	ssyncadd.remote.s32 $0x1  }
0xbd: {  	_ =	sfence.sel $0xFFFF  }
0xbe: {  	[dreg:$0x0] =	wrdreg $0xFFFFFFFF;
	(pc) =	sbr.abs _section_cstart, $3  }
0xbf: {  	[dreg:$0x1] =	wrdreg $0xFFFFFFFF  }
0xc0: {  	_ =	task.clear_ibuf [dreg:s6], $0x2FFFF;
	_ =	strace $0x9FFFFFFF  }
0xc1: {  	(tm) =	ssettm $0x7FFFFFFF  }
tec
execute0_lowered:
.L_overlay_start_1:
0x0: {  	(tag) =	ssettag $0x1  }
0x1: {  	s3 =	rddreg [dreg:$0x0]  }
0x2: {  	s0 =	rddreg [dreg:$0x1];
	s2 =	srdreg.scid  }
0x3: {  	s1 =	stileid.u32;
	s8 =	simm.s32 $0x80;
	s9 =	simm.s32 $0x400  }
0x4: {  	s4 =	sand.u32 $0x1, s2;
	s5 =	sshll.u32 s1, $0x1;
	s6 =	sshrl.u32 s1, $0x2  }
0x5: {  	s2 =	simm.s32 $0x0;
	s5 =	sor.u32 s4, s5;
	s6 =	smul.u32 $0x13C00, s6  }
0x6: {  	[smem:$0x7FF] =	sst s2;
	s7 =	sshll.u32 s5, $0x7;
	s5 =	smul.u32 $0x2710, s5  }
0x7: {  	s4 =	ssub.s32 $0x2, s4;
	_ =	strace $0x80000047;
	s7 =	sand.u32 $0x380, s7  }
0x8: {  	s31 =	sshrl.u32 s4, $0x1;
	s6 =	sor.u32 s6, s7;
	s5 =	sshrl.u32 s5, $0x3  }
0x9: {  	s7 =	ssub.s32 s4, s31;
	s6 =	sshrl.u32 s6, $0x3;
	s5 =	sadd.s32 s3, s5  }
0xa: {  	s6 =	sadd.s32 s6, s3;
	s3 =	sadd.s32 $0xBA40, s5;
	s5 =	smax.u32 s7, $0x1  }
0xb: {  	v0 =	vimm.f32 $0.0e+00;
	v1 =	vimm.f32 $1.000000000e+00;
	s7 =	simm.s32 $0x2780;
	s4 =	sadd.s32 $0x15800, s6;
	s6 =	simm.s32 $0x1  }
.LBB2_1:
0xc: {  	s10 =	simm.s32 $0x40;
	s11 =	simm.s32 $0x0  }
.LBB2_2:
0xd: {  	p0 =	sne.s32 s10, $0x9C00;
	[tilespmem:s11+$0x2780] =	vst v0;
	s11 =	smov.u32 s10;
	s10 =	sadd.s32 $0x40, s10  }
.Ltmp0:
0xe: {  	(pc) =	sbr.rel @p0 .LBB2_2-.Ltmp0, $2  }
0xf: {  	_ =	sdelay $0x2  }
0x10: {  	s11 =	sshra.s32 s11, $0x2  }
0x11: {  	[tilespmem:s11+$0x2780] =	vst v0;
	s10 =	simm.s32 $0x0  }
0x12: {  	[tilespmem:s10], [sflag:$0x1] =	stream.linear.gather [hbm4b:s3+s10], $0x2710, $0x38;
	[tilespmem:$0x4F00] =	vst v63  }
0x13: {  	_ =	swait.ge [sflag:s6], $0x2710  }
0x14: {  	[sflag:s6] =	ssyncset.done $0x0  }
0x15: {  	s11 =	simm.s32 $0x0;
	s10 =	simm.s32 $0x40;
	[sflag:s6] =	ssyncadd.s32 $0xFFFFD8F0  }
.LBB2_4:
0x16: {  	p0 =	sne.s32 s10, $0x9C00;
	v2 =	vld [tilespmem:s11+$0x0];
	_ =	sdelay $0x3  }
.Ltmp1:
0x17: {  	(pc) =	sbr.rel @p0 .LBB2_4-.Ltmp1, $2  }
0x18: {  	_ =	sdelay $0x2  }
0x19: {  	s11 =	sshra.s32 s10, $0x2;
	s10 =	sadd.s32 $0x40, s10;
	[tilespmem:v2+s7+$0x0] =	vst.idx.add.f32.msk $0xffff, v1  }
0x1a: {  	v2 =	vld [tilespmem:s11+$0x0];
	_ =	sdelay $0x5  }
0x1b: {  	s2 =	sadd.s32 $0x1, s2  }
0x1c: {  	p0 =	sne.s32 s2, s5  }
.Ltmp2:
0x1d: {  	[tilespmem:v2+s7+$0x0] =	vst.idx.add.f32.msk $0xffff, v1;
	(pc) =	sbr.rel @p0 .LBB2_1-.Ltmp2, $4  }
0x1e: {  	[hbm4b:s4+s8] =	stream.strided.scatter [tilespmem:s7], [sflag:$0x1], $0x2780, s9, s8, $0x38;
	[tilespmem:$0x4F00] =	vst v63  }
0x1f: {  	_ =	swait.ge [sflag:s6], $0x2780  }
0x20: {  	[sflag:s6] =	ssyncset.done $0x0  }
0x21: {  	[sflag:s6] =	ssyncadd.s32 $0xFFFFD880  }
0x22: {  	_ =	sfence.sel $0x180000  }
0x23: {  	[bflag:$0x0] =	sbarrier.arrive $0xFFFF  }
0x24: {  	p0 =	sne.s32 s1, $0x0;
	_ =	strace $0x90000047  }
0x25: {  	s0 =	sadd.s32 @!p0 $0x100000, s0;
	[bflag:$0x2] =	sbarrier.arrive $0xFFFF  }
0x26: {  	[sflag:s0] =	ssyncadd.tile.s32 @!p0 $0x1;
	_ =	shalt  }
.Lfunc_end2:
_tile_overlayer_lowered:
.L_overlay_start_2:
0x27: {  	(tag) =	ssettag $0x2  }
0x28: {  	s0 =	rddreg [dreg:$0x0];
	s2 =	stileid.u32  }
0x29: {  	s1 =	rddreg [dreg:$0x1];
	p0 =	sne.s32 s2, $0x0  }
0x2a: {  	s3 =	rddreg [dreg:$0x2];
	[bflag:$0x3] =	sbarrier.arrive $0xFFFF;
	s2 =	simm.s32 @!p0 $0x1C01  }
0x2b: {  	[timem:s3], [sflag:s2] =	dma.local @!p0 [hbm:s0], s1  }
0x2c: {  	s0 =	simm.s32 @!p0 $0x1  }
0x2d: {  	_ =	swait.ge @!p0 [sflag:s0], s1  }
0x2e: {  	s1 =	ssub.s32 @!p0 $0x0, s1;
	[sflag:s0] =	ssyncset.done @!p0 $0x0  }
0x2f: {  	[sflag:s0] =	ssyncadd.s32 @!p0 s1  }
0x30: {  	[bflag:$0x3] =	sbarrier.arrive $0xFFFF  }
0x31: {  	_ =	shalt  }

// kernel: kernel.9.cloned.1.call-start
scs
__scs_entry_jumppad:
0x0: {  	(pc) =	sbr.rel $0x88, $3  }
0x1: {  	(tag) =	ssettag $0x0;
	lr =	simm.s32 $0x1  }
0x2: {  	[smem:$0x3F9C] =	sst lr;
	_ =	strace $0xD0000000  }
0x3: {  	_ = 	snop  }
0x4: {  	_ = 	snop  }
0x5: {  	_ = 	snop  }
0x6: {  	_ = 	snop  }
0x7: {  	_ = 	snop  }
__scs_overlays_trampoline_lowered:
0x8: {  	[smem:$0x3FAB] =	sst s0  }
0x9: {  	[smem:$0x3FAC] =	sst s1  }
0xa: {  	[smem:$0x3FAD] =	sst s2  }
0xb: {  	[smem:$0x3FAE] =	sst s3  }
0xc: {  	[smem:$0x3FAF] =	sst s4  }
0xd: {  	[smem:$0x3FB0] =	sst s5  }
0xe: {  	[smem:$0x3FB1] =	sst s6  }
0xf: {  	[smem:$0x3FB2] =	sst s7  }
0x10: {  	[smem:$0x3FB3] =	sst s8  }
0x11: {  	[smem:$0x3FB4] =	sst s9;
	s0 =	simm.s32 @!p0 $0x0  }
0x12: {  	s1 =	sld [smem:$0x3F9A];
	s0 =	simm.s32 @p0 $0x1  }
0x13: {  	[smem:$0x3FB5] =	sst s0;
	s0 =	simm.s32 @!p1 $0x0  }
0x14: {  	s2 =	sld [smem:$0x3F99];
	s0 =	simm.s32 @p1 $0x1  }
0x15: {  	[smem:$0x3FB6] =	sst s0;
	s0 =	simm.s32 @!p2 $0x0  }
0x16: {  	s3 =	sld [smem:$0x3FDB];
	s0 =	simm.s32 @p2 $0x1  }
0x17: {  	s4 =	simm.s32 $0x1BF5;
	[smem:$0x3FB8] =	sst s0  }
0x18: {  	s0 =	sld [smem:$0x3F9B];
	_ =	swait.ge [sflag:s4], $0x0  }
0x19: {  	s7 =	sld [smem:$0x3F9C]  }
0x1a: {  	s8 =	sadd.s32 $0xFFFFE003, lr  }
0x1b: {  	s9 =	sadd.s32 $0xFFFFFEF7, lr;
	s5 =	simm.s32 $0xFFFFFFFF;
	p2 =	slt.u32 s8, $0xFFFFF086  }
0x1c: {  	p1 =	slt.u32 s9, $0xF7A;
	s5 =	simm.s32 @!p2 $0x0  }
0x1d: {  	s5 =	simm.s32 @p1 $0x1;
	p0 =	seq.s32 s7, s2  }
0x1e: {  	s7 =	smul.u32 @!p0 $0xF7A, s2;
	p2 =	seq.s32 @!p0 s5, $0x0  }
0x1f: {  	s9 =	smul.u32 $0xF7A, s1;
	s8 =	simm.s32 @!p0 $0x1BF5;
	p2 =	por !p2, p0  }
0x20: {  	[sflag:s8] =	ssyncset.s32 @!p0 $0xFFFFF086;
	s6 =	sadd.s32 @!p0 s3, s7;
	s7 =	simm.s32 @!p0 $0x108  }
0x21: {  	s3 =	sadd.s32 s3, s9;
	s6 =	sadd.s32 @!p0 $0x88, s6;
	s7 =	simm.s32 @p2 $0x1082  }
0x22: {  	[simem:s7], [sflag:s8] =	dma.local @!p0 [hbm:s6], $0xF7A  }
0x23: {  	s9 =	sor.u32 $0xD0000000, s2;
	s6 =	simm.s32 $0x108;
	_ =	swait.ge @!p0 [sflag:s8], $0x0  }
0x24: {  	s3 =	sadd.s32 $0x88, s3;
	s6 =	simm.s32 @!p1 $0x1082;
	[sflag:s4] =	ssyncset.s32 $0xFFFFF086  }
0x25: {  	[simem:s6], [sflag:s4] =	dma.local [hbm:s3], $0xF7A  }
0x26: {  	[smem:$0x3F9C] =	sst s1;
	(tag) =	ssettag s2;
	_ =	strace s9  }
0x27: {  	s1 =	sld [smem:$0x3FAC]  }
0x28: {  	s2 =	sld [smem:$0x3FAD]  }
0x29: {  	s4 =	sld [smem:$0x3FAF]  }
0x2a: {  	p0 =	seq.s32 s5, $0x0;
	s5 =	sld [smem:$0x3FB0]  }
0x2b: {  	s6 =	sld [smem:$0x3FB1]  }
0x2c: {  	s7 =	sld [smem:$0x3FB2]  }
0x2d: {  	s3 =	simm.s32 $0x108;
	s8 =	sld [smem:$0x3FB3]  }
0x2e: {  	s3 =	simm.s32 @!p0 $0x1082;
	s9 =	sld [smem:$0x3FB4]  }
0x2f: {  	lr =	sadd.s32 s0, s3;
	s0 =	sld [smem:$0x3FAB]  }
0x30: {  	s3 =	sld [smem:$0x3FAE]  }
0x31: {  	[smem:$0x3FB7] =	sst s10  }
0x32: {  	s10 =	sld [smem:$0x3FB5];
	_ =	sdelay $0x3  }
0x33: {  	p0 =	seq.s32 s10, $0x1;
	s10 =	sld [smem:$0x3FB7];
	_ =	sdelay $0x3  }
0x34: {  	[smem:$0x3FB7] =	sst s10  }
0x35: {  	s10 =	sld [smem:$0x3FB6];
	_ =	sdelay $0x3  }
0x36: {  	p1 =	seq.s32 s10, $0x1;
	s10 =	sld [smem:$0x3FB7];
	_ =	sdelay $0x3  }
0x37: {  	[smem:$0x3FB7] =	sst s10  }
0x38: {  	s10 =	sld [smem:$0x3FB8]  }
0x39: {  	_ = 	snop;
	(pc) =	sbr.ind lr, $3  }
0x3a: {  	_ = 	snop  }
0x3b: {  	_ = 	snop  }
0x3c: {  	p2 =	seq.s32 s10, $0x1;
	s10 =	sld [smem:$0x3FB7]  }
0x3d: {  	_ =	shalt  }
0x3e: {  	_ =	shalt  }
0x3f: {  	_ =	shalt  }
0x40: {  	_ =	shalt  }
0x41: {  	_ =	shalt  }
0x42: {  	_ =	shalt  }
0x43: {  	_ =	shalt  }
0x44: {  	_ =	shalt  }
0x45: {  	_ =	shalt  }
0x46: {  	_ =	shalt  }
0x47: {  	_ =	shalt  }
0x48: {  	_ =	shalt  }
0x49: {  	_ =	shalt  }
0x4a: {  	_ =	shalt  }
0x4b: {  	_ =	shalt  }
0x4c: {  	_ =	shalt  }
0x4d: {  	_ =	shalt  }
0x4e: {  	_ =	shalt  }
0x4f: {  	_ =	shalt  }
0x50: {  	_ =	shalt  }
0x51: {  	_ =	shalt  }
0x52: {  	_ =	shalt  }
0x53: {  	_ =	shalt  }
0x54: {  	_ =	shalt  }
0x55: {  	_ =	shalt  }
0x56: {  	_ =	shalt  }
0x57: {  	_ =	shalt  }
0x58: {  	_ =	shalt  }
0x59: {  	_ =	shalt  }
0x5a: {  	_ =	shalt  }
0x5b: {  	_ =	shalt  }
0x5c: {  	_ =	shalt  }
0x5d: {  	_ =	shalt  }
0x5e: {  	_ =	shalt  }
0x5f: {  	_ =	shalt  }
0x60: {  	_ =	shalt  }
0x61: {  	_ =	shalt  }
0x62: {  	_ =	shalt  }
0x63: {  	_ =	shalt  }
0x64: {  	_ =	shalt  }
0x65: {  	_ =	shalt  }
0x66: {  	_ =	shalt  }
0x67: {  	_ =	shalt  }
0x68: {  	_ =	shalt  }
0x69: {  	_ =	shalt  }
0x6a: {  	_ =	shalt  }
0x6b: {  	_ =	shalt  }
0x6c: {  	_ =	shalt  }
0x6d: {  	_ =	shalt  }
0x6e: {  	_ =	shalt  }
0x6f: {  	_ =	shalt  }
0x70: {  	_ =	shalt  }
0x71: {  	_ =	shalt  }
0x72: {  	_ =	shalt  }
0x73: {  	_ =	shalt  }
0x74: {  	_ =	shalt  }
0x75: {  	_ =	shalt  }
0x76: {  	_ =	shalt  }
0x77: {  	_ =	shalt  }
0x78: {  	_ =	shalt  }
0x79: {  	_ =	shalt  }
0x7a: {  	_ =	shalt  }
0x7b: {  	_ =	shalt  }
0x7c: {  	_ =	shalt  }
0x7d: {  	_ =	shalt  }
0x7e: {  	_ =	shalt  }
0x7f: {  	_ =	shalt  }
0x80: {  	_ =	shalt  }
0x81: {  	_ =	shalt  }
0x82: {  	_ =	shalt  }
0x83: {  	_ =	shalt  }
0x84: {  	_ =	shalt  }
0x85: {  	_ =	shalt  }
0x86: {  	_ =	shalt  }
0x87: {  	_ =	shalt  }
.Lfunc_end0:
.L_simem_size_0:
called_computation.1_lowered:
.L_overlay_start_0:
0x88: {  	s2 =	sld [smem:$0x3FD9]  }
0x89: {  	s3 =	sld [smem:$0x3FFE];
	_ =	sdelay $0x1  }
0x8a: {  	s1 =	srdreg.scid  }
0x8b: {  	s0 =	sand.u32 $0x1, s1  }
0x8c: {  	s16 =	sshll.u32 s0, $0xA;
	s2 =	sadd.s32 s3, s2  }
0x8d: {  	s2 =	sadd.s32 s2, s16  }
0x8e: {  	[smem:$0x3FC3] =	sst s2  }
0x8f: {  	_ = 	snop  }
0x90: {  	(tm) =	ssettm $0x1  }
0x91: {  	s17 =	sld [smem:$0x3FFB];
	_ =	sdelay $0x3  }
0x92: {  	_ =	strace s17  }
0x93: {  	s2 =	sld [smem:$0x3FFC];
	_ =	sdelay $0x3  }
0x94: {  	_ =	strace s2  }
0x95: {  	s2 =	sld [smem:$0x3FFD];
	_ =	sdelay $0x3  }
0x96: {  	_ =	strace s2  }
0x97: {  	_ =	strace $0x8FFFFFFF  }
0x98: {  	s18 =	sld [smem:$0x3FDB];
	_ =	sdelay $0x1  }
0x99: {  	s19 =	simm.s32 $_scs_section_size  }
0x9a: {  	s4 =	simm.s32 $_size__tile_overlayer_lowered;
	s5 =	simm.s32 $_tile_overlayer_lowered  }
0x9b: {  	s22 =	simm.s32 $0x1BFF;
	s21 =	sshll.u32 s5, $0x1;
	s2 =	sadd.s32 s19, s18  }
0x9c: {  	s6 =	simm.s32 $0x0;
	s20 =	sshll.u32 s4, $0x1;
	s4 =	sadd.s32 s21, s2  }
0x9d: {  	[timem:s6], [sflag:s22] =	dma.local [hbm:s4], s20  }
0x9e: {  	_ =	swait.ge [sflag:s22], s20  }
0x9f: {  	s3 =	ssub.s32 $0x0, s20;
	[sflag:s22] =	ssyncset.done $0x0  }
0xa0: {  	[sflag:s22] =	ssyncadd.s32 s3;
	_ =	sdelay $0x1  }
0xa1: {  	s23 =	simm.s32 $0x1B8B  }
0xa2: {  	_ =	swait.ge [sflag:s23], $0x1  }
0xa3: {  	[sflag:s23] =	ssyncset.done $0x0  }
0xa4: {  	s25 =	simm.s32 $0x1B8E;
	s24 =	sld [smem:$0x3FFE];
	[sflag:s23] =	ssyncadd.s32 $0xFFFFFFFF  }
0xa5: {  	s26 =	simm.s32 $execute0_lowered;
	[smem:$0x3FD2] =	sst s25  }
0xa6: {  	s4 =	sshll.u32 s26, $0x1;
	_ =	strace $0x80000049;
	[dreg:$0x1] =	wrdreg $0xFFFFFFFF  }
0xa7: {  	s28 =	simm.s32 $_size_execute0_lowered;
	s2 =	sadd.s32 s2, s4;
	[dreg:$0x0] =	wrdreg $0x0  }
0xa8: {  	s4 =	sshll.u32 s28, $0x1;
	[dreg:$0x2] =	wrdreg s2  }
0xa9: {  	[dreg:$0x3] =	wrdreg s4  }
0xaa: {  	[dreg:$0x4] =	wrdreg $0xC0  }
0xab: {  	_ =	task [dreg:s6], $0x5FFFF  }
0xac: {  	[dreg:$0x1] =	wrdreg $0xFFFFFFFF  }
0xad: {  	[dreg:$0x0] =	wrdreg $0x60  }
0xae: {  	[dreg:$0x2] =	wrdreg s24  }
0xaf: {  	[dreg:$0x3] =	wrdreg $0xA8000  }
0xb0: {  	[dreg:$0x4] =	wrdreg $0x9  }
0xb1: {  	_ =	task.clear_ibuf [dreg:s6], $0x5FFFF;
	_ =	strace $0x90000049  }
0xb2: {  	s29 =	simm.s32 $0x9;
	_ =	strace $0x8000004B  }
0xb3: {  	_ =	swait.ge [sflag:s29], $0x1  }
0xb4: {  	[sflag:s29] =	ssyncadd.s32 $0xFFFFFFFF  }
0xb5: {  	_ =	strace $0x9000004B  }
0xb6: {  	_ =	sfence  }
0xb7: {  	s30 =	sld [smem:$0x0];
	_ =	sdelay $0x2  }
0xb8: {  	s31 =	sshll.u32 s1, $0xD;
	s1 =	sshrl.u32 s1, $0x2  }
0xb9: {  	s3 =	sand.u32 $0x4000, s31;
	s1 =	sadd.s32 s1, s30  }
0xba: {  	s0 =	sor.u32 s3, s0;
	s1 =	sshll.u32 s1, $0x11  }
0xbb: {  	s0 =	sor.u32 s1, s0  }
0xbc: {  	s0 =	sadd.s32 $0x8F2B, s0  }
0xbd: {  	[sflag:s0] =	ssyncadd.remote.s32 $0x1  }
0xbe: {  	_ =	sfence.sel $0xFFFF  }
0xbf: {  	[dreg:$0x0] =	wrdreg $0xFFFFFFFF;
	(pc) =	sbr.abs _section_cstart, $3  }
0xc0: {  	[dreg:$0x1] =	wrdreg $0xFFFFFFFF  }
0xc1: {  	_ =	task.clear_ibuf [dreg:s6], $0x2FFFF;
	_ =	strace $0x9FFFFFFF  }
0xc2: {  	(tm) =	ssettm $0x7FFFFFFF  }
0xc3: {  	_ =	shalt  }
tec
execute0_lowered:
.L_overlay_start_1:
0x0: {  	(tag) =	ssettag $0x1  }
0x1: {  	s0 =	rddreg [dreg:$0x0]  }
0x2: {  	s1 =	rddreg [dreg:$0x1];
	s2 =	srdreg.scid;
	s3 =	simm.s32 $0x0  }
0x3: {  	s10 =	stileid.u32;
	s14 =	simm.s32 $0x7;
	s15 =	simm.s32 $0x1400  }
0x4: {  	s16 =	simm.s32 $0x40;
	s17 =	simm.s32 $0x2800;
	s18 =	simm.s32 $0x4800  }
0x5: {  	s19 =	simm.s32 $0x1;
	s28 =	simm.s32 $0x5;
	s29 =	simm.s32 $0x100  }
0x6: {  	s30 =	simm.s32 $0x140;
	s31 =	simm.s32 $0x1480;
	s2 =	sand.u32 $0x1, s2  }
0x7: {  	[smem:$0x7FF] =	sst s3;
	s6 =	smul.u32 $0x14000, s10;
	s4 =	sadd.s32 $0x33600, s0  }
0x8: {  	s7 =	sadd.s32 $0x1F600, s0;
	s8 =	sadd.s32 $0x29600, s0;
	s20 =	sadd.s32 $0x1E00, s0  }
0x9: {  	s21 =	sshll.u32 s10, $0x1;
	s22 =	smul.u32 $0x50000, s10;
	s24 =	sshll.u32 s10, $0x6  }
0xa: {  	s5 =	smul.u32 $0x140000, s2;
	_ =	strace $0x8000004A;
	[dreg:$0x3] =	wrdreg s20  }
0xb: {  	s9 =	ssub.s32 $0x2, s2;
	s2 =	sor.u32 s2, s21;
	s20 =	simm.s32 $0x2  }
0xc: {  	s21 =	simm.s32 $0x80;
	s23 =	sshrl.u32 s9, $0x1;
	s2 =	smul.u32 $0x2800, s2  }
0xd: {  	s5 =	sadd.s32 s6, s5;
	s6 =	sshrl.u32 s22, $0x2;
	s22 =	simm.s32 $0x6800  }
0xe: {  	s5 =	sshrl.u32 s5, $0x3;
	s13 =	sadd.s32 s6, s1;
	s6 =	sor.u32 $0x1C07, s24  }
0xf: {  	s2 =	sshrl.u32 s2, $0x3;
	s24 =	simm.s32 $0x8800;
	s0 =	sadd.s32 s5, s0  }
0x10: {  	s5 =	ssub.s32 s9, s23;
	s25 =	sadd.s32 s7, s2;
	s26 =	sadd.s32 s8, s2  }
.Ltmp0:
0x11: {  	s2 =	sadd.s32 $0x280, s2;
	[dreg:$0x4] =	wrdreg s25;
	(pc) =	sbr.rel .LBB2_1-.Ltmp0, $4  }
0x12: {  	s13 =	sshrl.u32 s13, $0x3;
	s23 =	simm.s32 $0xC0;
	[dreg:$0x5] =	wrdreg s26  }
0x13: {  	s7 =	sadd.s32 s7, s2;
	s10 =	sadd.s32 s8, s2;
	s11 =	sadd.s32 $0x5A800, s0  }
0x14: {  	s12 =	smax.u32 s5, $0x1;
	s25 =	simm.s32 $0x3;
	s26 =	simm.s32 $0x4  }
0x15: {  	s0 =	simm.s32 $0x6;
	s2 =	simm.s32 $0x0;
	[dreg:$0x6] =	wrdreg s7  }
.LBB2_7:
0x16: {  	[spmem:s1] =	stream.indirect.scatter.add.f32 [tilespmem:s22], [sflag:$0x6], $0x80, s8, s21, $0xb8;
	[tilespmem:$0x1E800] =	vst v63  }
0x17: {  	_ =	swait.ge [sflag:s28], $0x4000  }
0x18: {  	[sflag:s28] =	ssyncset.done $0x0  }
0x19: {  	[sflag:s28] =	ssyncadd.s32 $0xFFFFC000  }
0x1a: {  	_ =	swait.ge [sflag:s0], $0x4000  }
0x1b: {  	s2 =	sadd.s32 $0x1, s2;
	[sflag:s0] =	ssyncset.done $0x0  }
0x1c: {  	p0 =	sne.s32 s2, s12;
	[sflag:s0] =	ssyncadd.s32 $0xFFFFC000  }
.Ltmp1:
0x1d: {  	[bflag:$0x0] =	sbarrier.arrive $0xFFFF;
	(pc) =	sbr.rel @!p0 .LBB2_8-.Ltmp1, $4  }
0x1e: {  	[hbm:s11], [sflag:s6] =	dma.local [spmem:s13], $0x2800  }
0x1f: {  	_ =	swait.ge [sflag:s14], $0x2800  }
0x20: {  	[sflag:s14] =	ssyncset.done $0x0  }
0x21: {  	[sflag:s14] =	ssyncadd.s32 $0xFFFFD800  }
.LBB2_1:
0x22: {  	s5 =	rddreg [dreg:$0x3]  }
0x23: {  	[spmem:s13], [sflag:s6] =	dma.local [hbm:s5], $0x2800  }
0x24: {  	_ =	swait.ge [sflag:s14], $0x2800  }
0x25: {  	[sflag:s14] =	ssyncset.done $0x0  }
0x26: {  	[sflag:s14] =	ssyncadd.s32 $0xFFFFD800  }
0x27: {  	[bflag:$0x0] =	sbarrier.arrive $0xFFFF  }
0x28: {  	s8 =	rddreg [dreg:$0x4]  }
0x29: {  	[tilespmem:s3], [sflag:$0x7] =	stream.linear.gather [hbm4b:s8+s3], $0x1400, $0x38;
	[tilespmem:$0x1E800] =	vst v63  }
0x2a: {  	_ =	swait.ge [sflag:s14], $0x1400  }
0x2b: {  	[sflag:s14] =	ssyncset.done $0x0  }
0x2c: {  	s9 =	rddreg [dreg:$0x5];
	[sflag:s14] =	ssyncadd.s32 $0xFFFFEC00  }
0x2d: {  	[tilespmem:s15], [sflag:$0x7] =	stream.linear.gather [hbm4b:s9+s3], $0x1400, $0x38;
	[tilespmem:$0x1E800] =	vst v63  }
0x2e: {  	_ =	swait.ge [sflag:s14], $0x1400  }
0x2f: {  	[sflag:s14] =	ssyncset.done $0x0  }
0x30: {  	[sflag:s14] =	ssyncadd.s32 $0xFFFFEC00  }
0x31: {  	[tilespmem:s17], [sflag:$0x1] =	stream.indirect.gather [hbm4b:s4+s16], $0x80, s3, s16, $0xb8;
	[tilespmem:$0x1E800] =	vst v63  }
0x32: {  	_ = 	snop  }
0x33: {  	[tilespmem:s18], [sflag:$0x2] =	stream.indirect.gather [hbm4b:s4+s16], $0x80, s16, s16, $0xb8;
	[tilespmem:$0x1E800] =	vst v63  }
0x34: {  	_ =	swait.ge [sflag:s19], $0x2000  }
0x35: {  	[sflag:s19] =	ssyncset.done $0x0  }
0x36: {  	[sflag:s19] =	ssyncadd.s32 $0xFFFFE000  }
0x37: {  	_ =	swait.ge [sflag:s20], $0x2000  }
0x38: {  	[sflag:s20] =	ssyncset.done $0x0  }
0x39: {  	[sflag:s20] =	ssyncadd.s32 $0xFFFFE000  }
0x3a: {  	[tilespmem:s22], [sflag:$0x3] =	stream.indirect.gather [hbm4b:s4+s16], $0x80, s21, s16, $0xb8;
	[tilespmem:$0x1E800] =	vst v63  }
0x3b: {  	_ = 	snop  }
0x3c: {  	[tilespmem:s24], [sflag:$0x4] =	stream.indirect.gather [hbm4b:s4+s16], $0x80, s23, s16, $0xb8;
	[tilespmem:$0x1E800] =	vst v63  }
0x3d: {  	_ = 	snop  }
0x3e: {  	[spmem:s1] =	stream.indirect.scatter.add.f32 [tilespmem:s17], [sflag:$0x5], $0x80, s15, s21, $0xb8;
	[tilespmem:$0x1E800] =	vst v63  }
0x3f: {  	_ =	swait.ge [sflag:s25], $0x2000  }
0x40: {  	[sflag:s25] =	ssyncset.done $0x0  }
0x41: {  	[sflag:s25] =	ssyncadd.s32 $0xFFFFE000  }
0x42: {  	_ =	swait.ge [sflag:s26], $0x2000  }
0x43: {  	[sflag:s26] =	ssyncset.done $0x0  }
0x44: {  	[sflag:s26] =	ssyncadd.s32 $0xFFFFE000  }
0x45: {  	_ =	swait.ge [sflag:s28], $0x4000  }
0x46: {  	[sflag:s28] =	ssyncset.done $0x0  }
0x47: {  	[sflag:s28] =	ssyncadd.s32 $0xFFFFC000  }
0x48: {  	[tilespmem:s17], [sflag:$0x1] =	stream.indirect.gather [hbm4b:s4+s16], $0x80, s29, s16, $0xb8;
	[tilespmem:$0x1E800] =	vst v63  }
0x49: {  	_ = 	snop  }
0x4a: {  	[tilespmem:s18], [sflag:$0x2] =	stream.indirect.gather [hbm4b:s4+s16], $0x80, s30, s16, $0xb8;
	[tilespmem:$0x1E800] =	vst v63  }
0x4b: {  	s5 =	simm.s32 $0x0  }
0x4c: {  	[spmem:s1] =	stream.indirect.scatter.add.f32 [tilespmem:s22], [sflag:$0x6], $0x80, s31, s21, $0xb8;
	[tilespmem:$0x1E800] =	vst v63  }
.LBB2_2:
0x4d: {  	_ =	swait.ge [sflag:s19], $0x2000  }
0x4e: {  	[sflag:s19] =	ssyncset.done $0x0  }
0x4f: {  	[sflag:s19] =	ssyncadd.s32 $0xFFFFE000  }
0x50: {  	_ =	swait.ge [sflag:s20], $0x2000  }
0x51: {  	[sflag:s20] =	ssyncset.done $0x0  }
0x52: {  	[sflag:s20] =	ssyncadd.s32 $0xFFFFE000  }
0x53: {  	_ =	swait.ge [sflag:s0], $0x4000  }
0x54: {  	s7 =	sshra.s32 s5, $0x2;
	[sflag:s0] =	ssyncset.done $0x0  }
0x55: {  	s8 =	sadd.s32 $0x180, s7;
	[sflag:s0] =	ssyncadd.s32 $0xFFFFC000  }
0x56: {  	[tilespmem:s22], [sflag:$0x3] =	stream.indirect.gather [hbm4b:s4+s16], $0x80, s8, s16, $0xb8;
	[tilespmem:$0x1E800] =	vst v63  }
0x57: {  	s9 =	sadd.s32 $0x1C0, s7  }
0x58: {  	[tilespmem:s24], [sflag:$0x4] =	stream.indirect.gather [hbm4b:s4+s16], $0x80, s9, s16, $0xb8;
	[tilespmem:$0x1E800] =	vst v63  }
0x59: {  	s9 =	sadd.s32 $0x1500, s7  }
0x5a: {  	[spmem:s1] =	stream.indirect.scatter.add.f32 [tilespmem:s17], [sflag:$0x5], $0x80, s9, s21, $0xb8;
	[tilespmem:$0x1E800] =	vst v63  }
0x5b: {  	p0 =	seq.s32 s5, $0x4800;
	_ =	swait.ge [sflag:s25], $0x2000  }
.Ltmp2:
0x5c: {  	[sflag:s25] =	ssyncset.done $0x0;
	(pc) =	sbr.rel @p0 .LBB2_4-.Ltmp2, $4  }
0x5d: {  	[sflag:s25] =	ssyncadd.s32 $0xFFFFE000  }
0x5e: {  	_ =	swait.ge [sflag:s26], $0x2000  }
0x5f: {  	[sflag:s26] =	ssyncset.done $0x0  }
0x60: {  	s8 =	sadd.s32 $0x1580, s7;
	[sflag:s26] =	ssyncadd.s32 $0xFFFFE000  }
0x61: {  	_ =	swait.ge [sflag:s28], $0x4000  }
0x62: {  	[sflag:s28] =	ssyncset.done $0x0  }
0x63: {  	s9 =	sadd.s32 $0x200, s7;
	[sflag:s28] =	ssyncadd.s32 $0xFFFFC000  }
0x64: {  	[tilespmem:s17], [sflag:$0x1] =	stream.indirect.gather [hbm4b:s4+s16], $0x80, s9, s16, $0xb8;
	[tilespmem:$0x1E800] =	vst v63  }
.Ltmp3:
0x65: {  	_ = 	snop;
	(pc) =	sbr.rel .LBB2_2-.Ltmp3, $4  }
0x66: {  	s9 =	sadd.s32 $0x240, s7  }
0x67: {  	[tilespmem:s18], [sflag:$0x2] =	stream.indirect.gather [hbm4b:s4+s16], $0x80, s9, s16, $0xb8;
	[tilespmem:$0x1E800] =	vst v63  }
0x68: {  	s5 =	sadd.s32 $0x400, s5  }
0x69: {  	[spmem:s1] =	stream.indirect.scatter.add.f32 [tilespmem:s22], [sflag:$0x6], $0x80, s8, s21, $0xb8;
	[tilespmem:$0x1E800] =	vst v63  }
.LBB2_4:
0x6a: {  	[spmem:s1] =	stream.indirect.scatter.add.f32 [tilespmem:s22], [sflag:$0x6], $0x80, s8, s21, $0xb8;
	[tilespmem:$0x1E800] =	vst v63  }
0x6b: {  	_ =	swait.ge [sflag:s28], $0x4000  }
0x6c: {  	[sflag:s28] =	ssyncset.done $0x0  }
0x6d: {  	[sflag:s28] =	ssyncadd.s32 $0xFFFFC000  }
0x6e: {  	_ =	swait.ge [sflag:s0], $0x4000  }
0x6f: {  	[sflag:s0] =	ssyncset.done $0x0  }
0x70: {  	s5 =	simm.s32 $0x0;
	s7 =	rddreg [dreg:$0x6];
	[sflag:s0] =	ssyncadd.s32 $0xFFFFC000  }
0x71: {  	[tilespmem:s5], [sflag:$0x7] =	stream.linear.gather [hbm4b:s7+s5], $0x1400, $0x38;
	[tilespmem:$0x1E800] =	vst v63  }
0x72: {  	_ =	swait.ge [sflag:s14], $0x1400  }
0x73: {  	[sflag:s14] =	ssyncset.done $0x0  }
0x74: {  	[sflag:s14] =	ssyncadd.s32 $0xFFFFEC00  }
0x75: {  	[tilespmem:s15], [sflag:$0x7] =	stream.linear.gather [hbm4b:s10+s5], $0x1400, $0x38;
	[tilespmem:$0x1E800] =	vst v63  }
0x76: {  	_ =	swait.ge [sflag:s14], $0x1400  }
0x77: {  	[sflag:s14] =	ssyncset.done $0x0  }
0x78: {  	[sflag:s14] =	ssyncadd.s32 $0xFFFFEC00  }
0x79: {  	[tilespmem:s17], [sflag:$0x1] =	stream.indirect.gather [hbm4b:s4+s16], $0x80, s5, s16, $0xb8;
	[tilespmem:$0x1E800] =	vst v63  }
0x7a: {  	_ = 	snop  }
0x7b: {  	[tilespmem:s18], [sflag:$0x2] =	stream.indirect.gather [hbm4b:s4+s16], $0x80, s16, s16, $0xb8;
	[tilespmem:$0x1E800] =	vst v63  }
0x7c: {  	_ =	swait.ge [sflag:s19], $0x2000  }
0x7d: {  	[sflag:s19] =	ssyncset.done $0x0  }
0x7e: {  	[sflag:s19] =	ssyncadd.s32 $0xFFFFE000  }
0x7f: {  	_ =	swait.ge [sflag:s20], $0x2000  }
0x80: {  	[sflag:s20] =	ssyncset.done $0x0  }
0x81: {  	[sflag:s20] =	ssyncadd.s32 $0xFFFFE000  }
0x82: {  	[tilespmem:s22], [sflag:$0x3] =	stream.indirect.gather [hbm4b:s4+s16], $0x80, s21, s16, $0xb8;
	[tilespmem:$0x1E800] =	vst v63  }
0x83: {  	_ = 	snop  }
0x84: {  	[tilespmem:s24], [sflag:$0x4] =	stream.indirect.gather [hbm4b:s4+s16], $0x80, s23, s16, $0xb8;
	[tilespmem:$0x1E800] =	vst v63  }
0x85: {  	_ = 	snop  }
0x86: {  	[spmem:s1] =	stream.indirect.scatter.add.f32 [tilespmem:s17], [sflag:$0x5], $0x80, s15, s21, $0xb8;
	[tilespmem:$0x1E800] =	vst v63  }
0x87: {  	_ =	swait.ge [sflag:s25], $0x2000  }
0x88: {  	[sflag:s25] =	ssyncset.done $0x0  }
0x89: {  	[sflag:s25] =	ssyncadd.s32 $0xFFFFE000  }
0x8a: {  	_ =	swait.ge [sflag:s26], $0x2000  }
0x8b: {  	[sflag:s26] =	ssyncset.done $0x0  }
0x8c: {  	[sflag:s26] =	ssyncadd.s32 $0xFFFFE000  }
0x8d: {  	_ =	swait.ge [sflag:s28], $0x4000  }
0x8e: {  	[sflag:s28] =	ssyncset.done $0x0  }
0x8f: {  	[sflag:s28] =	ssyncadd.s32 $0xFFFFC000  }
0x90: {  	[tilespmem:s17], [sflag:$0x1] =	stream.indirect.gather [hbm4b:s4+s16], $0x80, s29, s16, $0xb8;
	[tilespmem:$0x1E800] =	vst v63  }
0x91: {  	_ = 	snop  }
0x92: {  	[tilespmem:s18], [sflag:$0x2] =	stream.indirect.gather [hbm4b:s4+s16], $0x80, s30, s16, $0xb8;
	[tilespmem:$0x1E800] =	vst v63  }
0x93: {  	_ = 	snop  }
0x94: {  	[spmem:s1] =	stream.indirect.scatter.add.f32 [tilespmem:s22], [sflag:$0x6], $0x80, s31, s21, $0xb8;
	[tilespmem:$0x1E800] =	vst v63  }
.LBB2_5:
0x95: {  	_ =	swait.ge [sflag:s19], $0x2000  }
0x96: {  	[sflag:s19] =	ssyncset.done $0x0  }
0x97: {  	[sflag:s19] =	ssyncadd.s32 $0xFFFFE000  }
0x98: {  	_ =	swait.ge [sflag:s20], $0x2000  }
0x99: {  	[sflag:s20] =	ssyncset.done $0x0  }
0x9a: {  	[sflag:s20] =	ssyncadd.s32 $0xFFFFE000  }
0x9b: {  	_ =	swait.ge [sflag:s0], $0x4000  }
0x9c: {  	s7 =	sshra.s32 s5, $0x2;
	[sflag:s0] =	ssyncset.done $0x0  }
0x9d: {  	s8 =	sadd.s32 $0x180, s7;
	[sflag:s0] =	ssyncadd.s32 $0xFFFFC000  }
0x9e: {  	[tilespmem:s22], [sflag:$0x3] =	stream.indirect.gather [hbm4b:s4+s16], $0x80, s8, s16, $0xb8;
	[tilespmem:$0x1E800] =	vst v63  }
0x9f: {  	s9 =	sadd.s32 $0x1C0, s7  }
0xa0: {  	[tilespmem:s24], [sflag:$0x4] =	stream.indirect.gather [hbm4b:s4+s16], $0x80, s9, s16, $0xb8;
	[tilespmem:$0x1E800] =	vst v63  }
0xa1: {  	s9 =	sadd.s32 $0x1500, s7  }
0xa2: {  	[spmem:s1] =	stream.indirect.scatter.add.f32 [tilespmem:s17], [sflag:$0x5], $0x80, s9, s21, $0xb8;
	[tilespmem:$0x1E800] =	vst v63  }
0xa3: {  	p0 =	seq.s32 s5, $0x4800;
	_ =	swait.ge [sflag:s25], $0x2000  }
.Ltmp4:
0xa4: {  	[sflag:s25] =	ssyncset.done $0x0;
	(pc) =	sbr.rel @p0 .LBB2_7-.Ltmp4, $4  }
0xa5: {  	[sflag:s25] =	ssyncadd.s32 $0xFFFFE000  }
0xa6: {  	_ =	swait.ge [sflag:s26], $0x2000  }
0xa7: {  	[sflag:s26] =	ssyncset.done $0x0  }
0xa8: {  	s8 =	sadd.s32 $0x1580, s7;
	[sflag:s26] =	ssyncadd.s32 $0xFFFFE000  }
0xa9: {  	_ =	swait.ge [sflag:s28], $0x4000  }
0xaa: {  	[sflag:s28] =	ssyncset.done $0x0  }
0xab: {  	s9 =	sadd.s32 $0x200, s7;
	[sflag:s28] =	ssyncadd.s32 $0xFFFFC000  }
0xac: {  	[tilespmem:s17], [sflag:$0x1] =	stream.indirect.gather [hbm4b:s4+s16], $0x80, s9, s16, $0xb8;
	[tilespmem:$0x1E800] =	vst v63  }
.Ltmp5:
0xad: {  	_ = 	snop;
	(pc) =	sbr.rel .LBB2_5-.Ltmp5, $4  }
0xae: {  	s9 =	sadd.s32 $0x240, s7  }
0xaf: {  	[tilespmem:s18], [sflag:$0x2] =	stream.indirect.gather [hbm4b:s4+s16], $0x80, s9, s16, $0xb8;
	[tilespmem:$0x1E800] =	vst v63  }
0xb0: {  	s5 =	sadd.s32 $0x400, s5  }
0xb1: {  	[spmem:s1] =	stream.indirect.scatter.add.f32 [tilespmem:s22], [sflag:$0x6], $0x80, s8, s21, $0xb8;
	[tilespmem:$0x1E800] =	vst v63  }
.LBB2_8:
0xb2: {  	_ =	sfence.sel $0x180000  }
0xb3: {  	[bflag:$0x0] =	sbarrier.arrive $0xFFFF  }
0xb4: {  	_ =	strace $0x9000004A  }
0xb5: {  	s0 =	stileid.u32;
	[bflag:$0x2] =	sbarrier.arrive $0xFFFF  }
0xb6: {  	p0 =	sne.s32 s0, $0x0;
	s0 =	rddreg [dreg:$0x2]  }
0xb7: {  	s0 =	sadd.s32 @!p0 $0x100000, s0  }
0xb8: {  	[sflag:s0] =	ssyncadd.tile.s32 @!p0 $0x1;
	_ =	shalt  }
.Lfunc_end2:
_tile_overlayer_lowered:
.L_overlay_start_2:
0xb9: {  	(tag) =	ssettag $0x2  }
0xba: {  	s0 =	rddreg [dreg:$0x0];
	s2 =	stileid.u32  }
0xbb: {  	s1 =	rddreg [dreg:$0x1];
	p0 =	sne.s32 s2, $0x0  }
0xbc: {  	s3 =	rddreg [dreg:$0x2];
	[bflag:$0x3] =	sbarrier.arrive $0xFFFF;
	s2 =	simm.s32 @!p0 $0x1C07  }
0xbd: {  	[timem:s3], [sflag:s2] =	dma.local @!p0 [hbm:s0], s1  }
0xbe: {  	s0 =	simm.s32 @!p0 $0x7  }
0xbf: {  	_ =	swait.ge @!p0 [sflag:s0], s1  }
0xc0: {  	s1 =	ssub.s32 @!p0 $0x0, s1;
	[sflag:s0] =	ssyncset.done @!p0 $0x0  }
0xc1: {  	[sflag:s0] =	ssyncadd.s32 @!p0 s1  }
0xc2: {  	[bflag:$0x3] =	sbarrier.arrive $0xFFFF  }
0xc3: {  	_ =	shalt  }

</sc_bundles>
